<compile_context>
chip_gen: v7x
topology: tpu7x:2x2x1
jax: 0.10.2.dev20260603
libtpu: 0.0.44.dev20260713+nightly
codegen_flags: <defaults>
</compile_context>

<pallas_src>
import functools

import jax
import jax.numpy as jnp
from jax import lax
from jax.experimental import pallas as pl
from jax.experimental.pallas import tpu as pltpu
from jax.experimental.pallas import tpu_sc as plsc

N = 10000
E = 320000
D = 128
DH = 256
G = 64

NC = 2
NS = 16
DHALF = D // 2
NPAD = 10240
ROWS_PER_TILE = NPAD // NS
ET = E // NS
EB = 400
NCHUNK = ET // EB


def _make_agg_kernel():
    mesh = plsc.VectorSubcoreMesh(core_axis_name="c", subcore_axis_name="s")

    @functools.partial(
        pl.kernel,
        mesh=mesh,
        out_type=jax.ShapeDtypeStruct((NC * NPAD, DHALF), jnp.float32),
        scratch_types=[
            pltpu.VMEM((2, EB), jnp.int32),
            pltpu.VMEM((2, EB), jnp.int32),
            pltpu.VMEM((EB, DHALF), jnp.float32),
            pltpu.VMEM((EB, DHALF), jnp.float32),
            pltpu.VMEM_SHARED((NPAD, DHALF), jnp.float32),
            pltpu.SemaphoreType.DMA,
            pltpu.SemaphoreType.DMA,
        ],
        compiler_params=pltpu.CompilerParams(use_tc_tiling_on_sc=False),
    )
    def agg(h2d_hbm, idx_hbm, zeros_hbm, out_hbm,
            idx_a, idx_b, rows_a, rows_b, acc_sh, sem_a, sem_b):
        cid = lax.axis_index("c")
        sid = lax.axis_index("s")

        pltpu.sync_copy(zeros_hbm.at[pl.ds(sid * ROWS_PER_TILE, ROWS_PER_TILE)],
                        acc_sh.at[pl.ds(sid * ROWS_PER_TILE, ROWS_PER_TILE)])
        plsc.subcore_barrier()

        ibase = (cid * NS + sid) * NCHUNK * 2

        def fetch(j, idx_v, rows_v, sem):
            pltpu.sync_copy(idx_hbm.at[pl.ds(ibase + j * 2, 2)], idx_v)
            pltpu.async_copy(h2d_hbm.at[idx_v.at[0]], rows_v, sem)

        def drain(idx_v, rows_v, sem):
            pltpu.make_async_copy(h2d_hbm.at[idx_v.at[0]], rows_v, sem).wait()
            pltpu.sync_copy(rows_v, acc_sh.at[idx_v.at[1]], add=True)

        fetch(0, idx_a, rows_a, sem_a)
        fetch(1, idx_b, rows_b, sem_b)

        def body(i, carry):
            drain(idx_a, rows_a, sem_a)
            fetch(2 * i + 2, idx_a, rows_a, sem_a)
            drain(idx_b, rows_b, sem_b)
            fetch(2 * i + 3, idx_b, rows_b, sem_b)
            return carry

        lax.fori_loop(0, NCHUNK // 2 - 1, body, 0)
        drain(idx_a, rows_a, sem_a)
        drain(idx_b, rows_b, sem_b)
        plsc.subcore_barrier()

        pltpu.sync_copy(
            acc_sh.at[pl.ds(sid * ROWS_PER_TILE, ROWS_PER_TILE)],
            out_hbm.at[pl.ds(cid * NPAD + sid * ROWS_PER_TILE, ROWS_PER_TILE)])

    return agg


_agg_call = _make_agg_kernel()


def _dense_body(x_ref, a0_ref, a1_ref, w1_ref, w2_ref, mg_ref, mb_ref,
                og_ref, ob_ref, b_ref, h_ref, p_ref):
    h2 = x_ref[...] + jnp.concatenate([a0_ref[...], a1_ref[...]], axis=1)
    t = jnp.dot(h2, w1_ref[...], preferred_element_type=jnp.float32)
    m = jnp.mean(t, axis=0, keepdims=True)
    d = t - m
    v = jnp.mean(d * d, axis=0, keepdims=True)
    tn = jnp.maximum(d * (mg_ref[...] * lax.rsqrt(v + 1e-5)) + mb_ref[...], 0.0)
    h3 = jnp.dot(tn, w2_ref[...], preferred_element_type=jnp.float32)
    m2 = jnp.mean(h3, axis=0, keepdims=True)
    d3 = h3 - m2
    v2 = jnp.mean(d3 * d3, axis=0, keepdims=True)
    h4 = jnp.maximum(d3 * (og_ref[...] * lax.rsqrt(v2 + 1e-5)) + ob_ref[...], 0.0)
    h_ref[...] = h4
    seg = lax.broadcasted_iota(jnp.int32, (G, N), 0)
    onehot = (seg == b_ref[...]).astype(jnp.float32)
    p_ref[...] = jnp.dot(onehot, h4, preferred_element_type=jnp.float32)


def _dense(x, a0, a1, W1, W2, mg, mb, og, ob, batch2d):
    return pl.pallas_call(
        _dense_body,
        out_shape=(jax.ShapeDtypeStruct((N, D), jnp.float32),
                   jax.ShapeDtypeStruct((G, D), jnp.float32)),
    )(x, a0, a1, W1, W2, mg.reshape(1, DH), mb.reshape(1, DH),
      og.reshape(1, D), ob.reshape(1, D), batch2d)


def kernel(x, edge_index, batch, W1_0, W2_0, mg0, mb0, og0, ob0,
           W1_1, W2_1, mg1, mb1, og1, ob1):
    src = edge_index[0].astype(jnp.int32)
    dst = edge_index[1].astype(jnp.int32)
    s3 = jnp.stack([2 * src, 2 * src + 1]).reshape(NC, NS, NCHUNK, EB)
    d3 = jnp.broadcast_to(dst.reshape(1, NS, NCHUNK, EB), (NC, NS, NCHUNK, EB))
    idx_packed = jnp.stack([s3, d3], axis=3).reshape(NC * NS * NCHUNK * 2, EB)
    zeros = jnp.zeros((NPAD, DHALF), jnp.float32)
    batch2d = batch.astype(jnp.int32).reshape(1, N)

    agg = _agg_call(x.reshape(2 * N, DHALF), idx_packed, zeros)
    h1, p0 = _dense(x, agg[:N], agg[NPAD:NPAD + N],
                    W1_0, W2_0, mg0, mb0, og0, ob0, batch2d)
    agg2 = _agg_call(h1.reshape(2 * N, DHALF), idx_packed, zeros)
    h2, p1 = _dense(h1, agg2[:N], agg2[NPAD:NPAD + N],
                    W1_1, W2_1, mg1, mb1, og1, ob1, batch2d)
    return (h2, jnp.concatenate([p0, p1], axis=1))

# --- scband reference (transcript-rebuilt; emitter-appended) ---
"""Pipeline reference for scband-encoder-20194936226510 (READ-ONLY COPY).

The authoritative reference and input builder live on the scoring server;
editing this copy changes nothing except your own understanding.
"""

import jax, jax.numpy as jnp
import numpy as np

N = 10000
E = 320000
DIN = 128
DOUT = 128
DH = 256
G = 64


def setup_inputs(seed: int = 0) -> dict:
    key = jax.random.key(seed)
    ks = jax.random.split(key, 16)
    x = jax.random.normal(ks[0], (N, DIN), dtype=jnp.float32)
    edge_index = jax.random.randint(ks[1], (2, E), 0, N)
    batch = jnp.sort(jax.random.randint(ks[2], (N,), 0, G))
    # layer 0 MLP: Linear(DIN->DH, no bias), BN(DH), Linear(DH->DOUT, no bias)
    W1_0 = jax.random.normal(ks[3], (DIN, DH), dtype=jnp.float32) / np.sqrt(DIN)
    W2_0 = jax.random.normal(ks[4], (DH, DOUT), dtype=jnp.float32) / np.sqrt(DH)
    mg0 = jnp.ones((DH,), dtype=jnp.float32)
    mb0 = jnp.zeros((DH,), dtype=jnp.float32)
    # outer BN for layer 0
    og0 = jnp.ones((DOUT,), dtype=jnp.float32)
    ob0 = jnp.zeros((DOUT,), dtype=jnp.float32)
    # layer 1 MLP: Linear(DOUT->DH), BN(DH), Linear(DH->DOUT)
    W1_1 = jax.random.normal(ks[5], (DOUT, DH), dtype=jnp.float32) / np.sqrt(DOUT)
    W2_1 = jax.random.normal(ks[6], (DH, DOUT), dtype=jnp.float32) / np.sqrt(DH)
    mg1 = jnp.ones((DH,), dtype=jnp.float32)
    mb1 = jnp.zeros((DH,), dtype=jnp.float32)
    og1 = jnp.ones((DOUT,), dtype=jnp.float32)
    ob1 = jnp.zeros((DOUT,), dtype=jnp.float32)
    return {"x": x, "edge_index": edge_index, "batch": batch,
            "W1_0": W1_0, "W2_0": W2_0, "mg0": mg0, "mb0": mb0, "og0": og0, "ob0": ob0,
            "W1_1": W1_1, "W2_1": W2_1, "mg1": mg1, "mb1": mb1, "og1": og1, "ob1": ob1}


def _bn(h, gamma, beta):
    # BatchNorm1d in training mode: biased batch statistics
    m = jnp.mean(h, axis=0)
    v = jnp.var(h, axis=0)
    return (h - m) / jnp.sqrt(v + 1e-5) * gamma + beta


def _gin_layer(x, edge_index, W1, W2, mg, mb):
    src = edge_index[0]
    dst = edge_index[1]
    # GINConv sum aggregation of source features at destination nodes
    agg = jax.ops.segment_sum(x[src], dst, num_segments=x.shape[0])
    h = (1.0 + 0.0) * x + agg  # eps = 0
    # MLP: Linear -> BN -> ReLU -> Linear
    h = h @ W1
    h = jax.nn.relu(_bn(h, mg, mb))
    return h @ W2


def reference(x, edge_index, batch, W1_0, W2_0, mg0, mb0, og0, ob0, W1_1, W2_1, mg1, mb1, og1, ob1):
    output = []
    # layer 0
    h = _gin_layer(x, edge_index, W1_0, W2_0, mg0, mb0)
    h = _bn(h, og0, ob0)
    h = jax.nn.relu(h)
    output.append(jax.ops.segment_sum(h, batch, num_segments=G))
    # layer 1
    h = _gin_layer(h, edge_index, W1_1, W2_1, mg1, mb1)
    h = _bn(h, og1, ob1)
    h = jax.nn.relu(h)
    output.append(jax.ops.segment_sum(h, batch, num_segments=G))
    return (h, jnp.concatenate(output, axis=1))

if __name__ == "__main__":
    import jax
    _d = setup_inputs()
    print(jax.jit(kernel)(*tuple(_d.values())))

</pallas_src>

<mosaic_0001>
#map = affine_map<(d0, d1) -> (0, 0)>
module attributes {stable_mosaic.version = 14 : i64} {
  func.func @agg(%arg0: i32, %arg1: i32, %arg2: memref<20000x64xf32, #tpu.memory_space<hbm>>, %arg3: memref<3200x400xi32, #tpu.memory_space<hbm>>, %arg4: memref<10240x64xf32, #tpu.memory_space<hbm>>, %arg5: memref<20480x64xf32, #tpu.memory_space<hbm>>, %arg6: memref<2x400xi32, #tpu.memory_space<vmem>>, %arg7: memref<2x400xi32, #tpu.memory_space<vmem>>, %arg8: memref<400x64xf32, #tpu.memory_space<vmem>>, %arg9: memref<400x64xf32, #tpu.memory_space<vmem>>, %arg10: memref<10240x64xf32, #tpu.memory_space<vmem_shared>>, %arg11: memref<!tpu.dma_semaphore, #tpu.memory_space<semaphore_mem>>, %arg12: memref<!tpu.dma_semaphore, #tpu.memory_space<semaphore_mem>>) attributes {dimension_semantics = [#tpu.dimension_semantics<core_parallel>, #tpu.dimension_semantics<subcore_parallel>], iteration_bounds = array<i64: 2, 16>, scalar_prefetch = 0 : i64, scratch_operands = 7 : i64, tpu.core_type = #tpu.core_type<sc_vector_subcore>, window_params = [{transform_indices = #map}, {transform_indices = #map}, {transform_indices = #map}, {transform_indices = #map}]} {
    %mul3A = arith.constant 640 : i32
    %mul3A_0 = arith.muli %arg1, %mul3A : i32
    %mul3A_1 = arith.constant 640 : i32
    %mul3A_2 = arith.muli %arg1, %mul3A_1 : i32
    "tpu.region"() ({
      %run_scoped3A_53 = tpu.sem_alloc : memref<!tpu.dma_semaphore, #tpu.memory_space<semaphore_mem>>
      %dma_start3A_54 = arith.constant 0 : i32
      %dma_start3A_55 = tpu.memref_slice %arg10[%mul3A_2, %dma_start3A_54] : memref<10240x64xf32, #tpu.memory_space<vmem_shared>> -> memref<640x64xf32, #tpu.memory_space<vmem_shared>>
      %dma_start3A_56 = arith.constant 0 : i32
      %dma_start3A_57 = tpu.memref_slice %arg4[%mul3A_0, %dma_start3A_56] : memref<10240x64xf32, #tpu.memory_space<hbm>> -> memref<640x64xf32, #tpu.memory_space<hbm>>
      tpu.enqueue_dma source(%dma_start3A_57 : memref<640x64xf32, #tpu.memory_space<hbm>>) target(%dma_start3A_55 : memref<640x64xf32, #tpu.memory_space<vmem_shared>>) target_semaphore(%run_scoped3A_53 : memref<!tpu.dma_semaphore, #tpu.memory_space<semaphore_mem>>)
      %dma_wait3A_58 = arith.constant 0 : i32
      %dma_wait3A_59 = tpu.memref_slice %arg10[%mul3A_2, %dma_wait3A_58] : memref<10240x64xf32, #tpu.memory_space<vmem_shared>> -> memref<640x64xf32, #tpu.memory_space<vmem_shared>>
      %dma_wait3A_60 = arith.constant 0 : i32
      %dma_wait3A_61 = tpu.memref_slice %arg4[%mul3A_0, %dma_wait3A_60] : memref<10240x64xf32, #tpu.memory_space<hbm>> -> memref<640x64xf32, #tpu.memory_space<hbm>>
      tpu.wait_dma2 semaphore(%run_scoped3A_53 : memref<!tpu.dma_semaphore, #tpu.memory_space<semaphore_mem>>) src(%dma_wait3A_61 : memref<640x64xf32, #tpu.memory_space<hbm>>) dst(%dma_wait3A_59 : memref<640x64xf32, #tpu.memory_space<vmem_shared>>)
      tpu.yield
    }) : () -> ()
    %barrier3A = arith.constant 0 : index
    tpu.barrier barrier_id(%barrier3A)
    %mul3A_3 = arith.constant 16 : i32
    %mul3A_4 = arith.muli %arg0, %mul3A_3 : i32
    %add3A = arith.addi %mul3A_4, %arg1 : i32
    %mul3A_5 = arith.constant 50 : i32
    %mul3A_6 = arith.muli %add3A, %mul3A_5 : i32
    %mul3A_7 = arith.constant 2 : i32
    %mul3A_8 = arith.muli %mul3A_6, %mul3A_7 : i32
    %add3A_9 = arith.constant 0 : i32
    %add3A_10 = arith.addi %mul3A_8, %add3A_9 : i32
    "tpu.region"() ({
      %run_scoped3A_53 = tpu.sem_alloc : memref<!tpu.dma_semaphore, #tpu.memory_space<semaphore_mem>>
      %dma_start3A_54 = arith.constant 0 : i32
      %dma_start3A_55 = tpu.memref_slice %arg3[%add3A_10, %dma_start3A_54] : memref<3200x400xi32, #tpu.memory_space<hbm>> -> memref<2x400xi32, #tpu.memory_space<hbm>>
      %dma_start3A_56 = arith.constant 0 : i32
      %dma_start3A_57 = tpu.memref_slice %arg3[%add3A_10, %dma_start3A_56] : memref<3200x400xi32, #tpu.memory_space<hbm>> -> memref<2x400xi32, #tpu.memory_space<hbm>>
      tpu.enqueue_dma source(%dma_start3A_57 : memref<2x400xi32, #tpu.memory_space<hbm>>) target(%arg6 : memref<2x400xi32, #tpu.memory_space<vmem>>) target_semaphore(%run_scoped3A_53 : memref<!tpu.dma_semaphore, #tpu.memory_space<semaphore_mem>>)
      %dma_wait3A_58 = arith.constant 0 : i32
      %dma_wait3A_59 = tpu.memref_slice %arg3[%add3A_10, %dma_wait3A_58] : memref<3200x400xi32, #tpu.memory_space<hbm>> -> memref<2x400xi32, #tpu.memory_space<hbm>>
      %dma_wait3A_60 = arith.constant 0 : i32
      %dma_wait3A_61 = tpu.memref_slice %arg3[%add3A_10, %dma_wait3A_60] : memref<3200x400xi32, #tpu.memory_space<hbm>> -> memref<2x400xi32, #tpu.memory_space<hbm>>
      tpu.wait_dma2 semaphore(%run_scoped3A_53 : memref<!tpu.dma_semaphore, #tpu.memory_space<semaphore_mem>>) src(%dma_wait3A_61 : memref<2x400xi32, #tpu.memory_space<hbm>>) dst(%arg6 : memref<2x400xi32, #tpu.memory_space<vmem>>)
      tpu.yield
    }) : () -> ()
    %dma_start3A = arith.constant 0 : i32
    %dma_start3A_11 = arith.constant 0 : i32
    %dma_start3A_12 = tpu.memref_slice %arg6[%dma_start3A, %dma_start3A_11] : memref<2x400xi32, #tpu.memory_space<vmem>> -> memref<1x400xi32, #tpu.memory_space<vmem>>
    %dma_start3A_13 = tpu.memref_squeeze %dma_start3A_12 : memref<1x400xi32, #tpu.memory_space<vmem>> -> memref<400xi32, #tpu.memory_space<vmem>>
    %dma_start3A_14 = arith.constant 0 : i32
    %dma_start3A_15 = arith.constant 0 : i32
    %dma_start3A_16 = tpu.memref_slice %arg2[%dma_start3A_14, %dma_start3A_15] : memref<20000x64xf32, #tpu.memory_space<hbm>> -> memref<20000x64xf32, #tpu.memory_space<hbm>>
    tpu.enqueue_indirect_dma source(%dma_start3A_16 : memref<20000x64xf32, #tpu.memory_space<hbm>>) target(%arg8 : memref<400x64xf32, #tpu.memory_space<vmem>>) offsets(%dma_start3A_13 : memref<400xi32, #tpu.memory_space<vmem>>) semaphore(%arg11 : memref<!tpu.dma_semaphore, #tpu.memory_space<semaphore_mem>>)
    %add3A_17 = arith.constant 2 : i32
    %add3A_18 = arith.addi %mul3A_8, %add3A_17 : i32
    "tpu.region"() ({
      %run_scoped3A_53 = tpu.sem_alloc : memref<!tpu.dma_semaphore, #tpu.memory_space<semaphore_mem>>
      %dma_start3A_54 = arith.constant 0 : i32
      %dma_start3A_55 = tpu.memref_slice %arg3[%add3A_18, %dma_start3A_54] : memref<3200x400xi32, #tpu.memory_space<hbm>> -> memref<2x400xi32, #tpu.memory_space<hbm>>
      %dma_start3A_56 = arith.constant 0 : i32
      %dma_start3A_57 = tpu.memref_slice %arg3[%add3A_18, %dma_start3A_56] : memref<3200x400xi32, #tpu.memory_space<hbm>> -> memref<2x400xi32, #tpu.memory_space<hbm>>
      tpu.enqueue_dma source(%dma_start3A_57 : memref<2x400xi32, #tpu.memory_space<hbm>>) target(%arg7 : memref<2x400xi32, #tpu.memory_space<vmem>>) target_semaphore(%run_scoped3A_53 : memref<!tpu.dma_semaphore, #tpu.memory_space<semaphore_mem>>)
      %dma_wait3A_58 = arith.constant 0 : i32
      %dma_wait3A_59 = tpu.memref_slice %arg3[%add3A_18, %dma_wait3A_58] : memref<3200x400xi32, #tpu.memory_space<hbm>> -> memref<2x400xi32, #tpu.memory_space<hbm>>
      %dma_wait3A_60 = arith.constant 0 : i32
      %dma_wait3A_61 = tpu.memref_slice %arg3[%add3A_18, %dma_wait3A_60] : memref<3200x400xi32, #tpu.memory_space<hbm>> -> memref<2x400xi32, #tpu.memory_space<hbm>>
      tpu.wait_dma2 semaphore(%run_scoped3A_53 : memref<!tpu.dma_semaphore, #tpu.memory_space<semaphore_mem>>) src(%dma_wait3A_61 : memref<2x400xi32, #tpu.memory_space<hbm>>) dst(%arg7 : memref<2x400xi32, #tpu.memory_space<vmem>>)
      tpu.yield
    }) : () -> ()
    %dma_start3A_19 = arith.constant 0 : i32
    %dma_start3A_20 = arith.constant 0 : i32
    %dma_start3A_21 = tpu.memref_slice %arg7[%dma_start3A_19, %dma_start3A_20] : memref<2x400xi32, #tpu.memory_space<vmem>> -> memref<1x400xi32, #tpu.memory_space<vmem>>
    %dma_start3A_22 = tpu.memref_squeeze %dma_start3A_21 : memref<1x400xi32, #tpu.memory_space<vmem>> -> memref<400xi32, #tpu.memory_space<vmem>>
    %dma_start3A_23 = arith.constant 0 : i32
    %dma_start3A_24 = arith.constant 0 : i32
    %dma_start3A_25 = tpu.memref_slice %arg2[%dma_start3A_23, %dma_start3A_24] : memref<20000x64xf32, #tpu.memory_space<hbm>> -> memref<20000x64xf32, #tpu.memory_space<hbm>>
    tpu.enqueue_indirect_dma source(%dma_start3A_25 : memref<20000x64xf32, #tpu.memory_space<hbm>>) target(%arg9 : memref<400x64xf32, #tpu.memory_space<vmem>>) offsets(%dma_start3A_22 : memref<400xi32, #tpu.memory_space<vmem>>) semaphore(%arg12 : memref<!tpu.dma_semaphore, #tpu.memory_space<semaphore_mem>>)
    %scan3A = arith.constant 0 : i32
    %scan3A_26 = arith.constant 0 : i32
    %scan3A_27 = arith.constant 24 : i32
    %scan3A_28 = arith.addi %scan3A_26, %scan3A_27 : i32
    %scan3A_29 = arith.constant 1 : i32
    scf.for %scan3A_53 = %scan3A_26 to %scan3A_28 step %scan3A_29  : i32 {
      %dma_wait3A_54 = arith.constant 0 : i32
      %dma_wait3A_55 = arith.constant 0 : i32
      %dma_wait3A_56 = tpu.memref_slice %arg6[%dma_wait3A_54, %dma_wait3A_55] : memref<2x400xi32, #tpu.memory_space<vmem>> -> memref<1x400xi32, #tpu.memory_space<vmem>>
      %dma_wait3A_57 = tpu.memref_squeeze %dma_wait3A_56 : memref<1x400xi32, #tpu.memory_space<vmem>> -> memref<400xi32, #tpu.memory_space<vmem>>
      %dma_wait3A_58 = arith.constant 0 : i32
      %dma_wait3A_59 = arith.constant 0 : i32
      %dma_wait3A_60 = tpu.memref_slice %arg2[%dma_wait3A_58, %dma_wait3A_59] : memref<20000x64xf32, #tpu.memory_space<hbm>> -> memref<20000x64xf32, #tpu.memory_space<hbm>>
      tpu.wait_indirect_dma semaphore(%arg11 : memref<!tpu.dma_semaphore, #tpu.memory_space<semaphore_mem>>) src(%dma_wait3A_60 : memref<20000x64xf32, #tpu.memory_space<hbm>>) dst(%arg8 : memref<400x64xf32, #tpu.memory_space<vmem>>)
      %run_scoped3A_61 = arith.constant 1 : i32
      "tpu.region"() ({
        %run_scoped3A_98 = tpu.sem_alloc : memref<!tpu.dma_semaphore, #tpu.memory_space<semaphore_mem>>
        %dma_start3A_99 = arith.constant 0 : i32
        %dma_start3A_100 = tpu.memref_slice %arg6[%run_scoped3A_61, %dma_start3A_99] : memref<2x400xi32, #tpu.memory_space<vmem>> -> memref<1x400xi32, #tpu.memory_space<vmem>>
        %dma_start3A_101 = tpu.memref_squeeze %dma_start3A_100 : memref<1x400xi32, #tpu.memory_space<vmem>> -> memref<400xi32, #tpu.memory_space<vmem>>
        %dma_start3A_102 = arith.constant 0 : i32
        %dma_start3A_103 = arith.constant 0 : i32
        %dma_start3A_104 = tpu.memref_slice %arg10[%dma_start3A_102, %dma_start3A_103] : memref<10240x64xf32, #tpu.memory_space<vmem_shared>> -> memref<10240x64xf32, #tpu.memory_space<vmem_shared>>
        tpu.enqueue_indirect_dma source(%arg8 : memref<400x64xf32, #tpu.memory_space<vmem>>) target(%dma_start3A_104 : memref<10240x64xf32, #tpu.memory_space<vmem_shared>>) offsets(%dma_start3A_101 : memref<400xi32, #tpu.memory_space<vmem>>) semaphore(%run_scoped3A_98 : memref<!tpu.dma_semaphore, #tpu.memory_space<semaphore_mem>>) {add = true}
        %dma_wait3A_105 = arith.constant 0 : i32
        %dma_wait3A_106 = tpu.memref_slice %arg6[%run_scoped3A_61, %dma_wait3A_105] : memref<2x400xi32, #tpu.memory_space<vmem>> -> memref<1x400xi32, #tpu.memory_space<vmem>>
        %dma_wait3A_107 = tpu.memref_squeeze %dma_wait3A_106 : memref<1x400xi32, #tpu.memory_space<vmem>> -> memref<400xi32, #tpu.memory_space<vmem>>
        %dma_wait3A_108 = arith.constant 0 : i32
        %dma_wait3A_109 = arith.constant 0 : i32
        %dma_wait3A_110 = tpu.memref_slice %arg10[%dma_wait3A_108, %dma_wait3A_109] : memref<10240x64xf32, #tpu.memory_space<vmem_shared>> -> memref<10240x64xf32, #tpu.memory_space<vmem_shared>>
        tpu.wait_indirect_dma semaphore(%run_scoped3A_98 : memref<!tpu.dma_semaphore, #tpu.memory_space<semaphore_mem>>) src(%arg8 : memref<400x64xf32, #tpu.memory_space<vmem>>) dst(%dma_wait3A_110 : memref<10240x64xf32, #tpu.memory_space<vmem_shared>>)
        tpu.yield
      }) : () -> ()
      %mul3A_62 = arith.constant 2 : i32
      %mul3A_63 = arith.muli %mul3A_62, %scan3A_53 : i32
      %add3A_64 = arith.constant 2 : i32
      %add3A_65 = arith.addi %mul3A_63, %add3A_64 : i32
      %mul3A_66 = arith.constant 2 : i32
      %mul3A_67 = arith.muli %add3A_65, %mul3A_66 : i32
      %add3A_68 = arith.addi %mul3A_8, %mul3A_67 : i32
      "tpu.region"() ({
        %run_scoped3A_98 = tpu.sem_alloc : memref<!tpu.dma_semaphore, #tpu.memory_space<semaphore_mem>>
        %dma_start3A_99 = arith.constant 0 : i32
        %dma_start3A_100 = tpu.memref_slice %arg3[%add3A_68, %dma_start3A_99] : memref<3200x400xi32, #tpu.memory_space<hbm>> -> memref<2x400xi32, #tpu.memory_space<hbm>>
        %dma_start3A_101 = arith.constant 0 : i32
        %dma_start3A_102 = tpu.memref_slice %arg3[%add3A_68, %dma_start3A_101] : memref<3200x400xi32, #tpu.memory_space<hbm>> -> memref<2x400xi32, #tpu.memory_space<hbm>>
        tpu.enqueue_dma source(%dma_start3A_102 : memref<2x400xi32, #tpu.memory_space<hbm>>) target(%arg6 : memref<2x400xi32, #tpu.memory_space<vmem>>) target_semaphore(%run_scoped3A_98 : memref<!tpu.dma_semaphore, #tpu.memory_space<semaphore_mem>>)
        %dma_wait3A_103 = arith.constant 0 : i32
        %dma_wait3A_104 = tpu.memref_slice %arg3[%add3A_68, %dma_wait3A_103] : memref<3200x400xi32, #tpu.memory_space<hbm>> -> memref<2x400xi32, #tpu.memory_space<hbm>>
        %dma_wait3A_105 = arith.constant 0 : i32
        %dma_wait3A_106 = tpu.memref_slice %arg3[%add3A_68, %dma_wait3A_105] : memref<3200x400xi32, #tpu.memory_space<hbm>> -> memref<2x400xi32, #tpu.memory_space<hbm>>
        tpu.wait_dma2 semaphore(%run_scoped3A_98 : memref<!tpu.dma_semaphore, #tpu.memory_space<semaphore_mem>>) src(%dma_wait3A_106 : memref<2x400xi32, #tpu.memory_space<hbm>>) dst(%arg6 : memref<2x400xi32, #tpu.memory_space<vmem>>)
        tpu.yield
      }) : () -> ()
      %dma_start3A_69 = arith.constant 0 : i32
      %dma_start3A_70 = arith.constant 0 : i32
      %dma_start3A_71 = tpu.memref_slice %arg6[%dma_start3A_69, %dma_start3A_70] : memref<2x400xi32, #tpu.memory_space<vmem>> -> memref<1x400xi32, #tpu.memory_space<vmem>>
      %dma_start3A_72 = tpu.memref_squeeze %dma_start3A_71 : memref<1x400xi32, #tpu.memory_space<vmem>> -> memref<400xi32, #tpu.memory_space<vmem>>
      %dma_start3A_73 = arith.constant 0 : i32
      %dma_start3A_74 = arith.constant 0 : i32
      %dma_start3A_75 = tpu.memref_slice %arg2[%dma_start3A_73, %dma_start3A_74] : memref<20000x64xf32, #tpu.memory_space<hbm>> -> memref<20000x64xf32, #tpu.memory_space<hbm>>
      tpu.enqueue_indirect_dma source(%dma_start3A_75 : memref<20000x64xf32, #tpu.memory_space<hbm>>) target(%arg8 : memref<400x64xf32, #tpu.memory_space<vmem>>) offsets(%dma_start3A_72 : memref<400xi32, #tpu.memory_space<vmem>>) semaphore(%arg11 : memref<!tpu.dma_semaphore, #tpu.memory_space<semaphore_mem>>)
      %dma_wait3A_76 = arith.constant 0 : i32
      %dma_wait3A_77 = arith.constant 0 : i32
      %dma_wait3A_78 = tpu.memref_slice %arg7[%dma_wait3A_76, %dma_wait3A_77] : memref<2x400xi32, #tpu.memory_space<vmem>> -> memref<1x400xi32, #tpu.memory_space<vmem>>
      %dma_wait3A_79 = tpu.memref_squeeze %dma_wait3A_78 : memref<1x400xi32, #tpu.memory_space<vmem>> -> memref<400xi32, #tpu.memory_space<vmem>>
      %dma_wait3A_80 = arith.constant 0 : i32
      %dma_wait3A_81 = arith.constant 0 : i32
      %dma_wait3A_82 = tpu.memref_slice %arg2[%dma_wait3A_80, %dma_wait3A_81] : memref<20000x64xf32, #tpu.memory_space<hbm>> -> memref<20000x64xf32, #tpu.memory_space<hbm>>
      tpu.wait_indirect_dma semaphore(%arg12 : memref<!tpu.dma_semaphore, #tpu.memory_space<semaphore_mem>>) src(%dma_wait3A_82 : memref<20000x64xf32, #tpu.memory_space<hbm>>) dst(%arg9 : memref<400x64xf32, #tpu.memory_space<vmem>>)
      %run_scoped3A_83 = arith.constant 1 : i32
      "tpu.region"() ({
        %run_scoped3A_98 = tpu.sem_alloc : memref<!tpu.dma_semaphore, #tpu.memory_space<semaphore_mem>>
        %dma_start3A_99 = arith.constant 0 : i32
        %dma_start3A_100 = tpu.memref_slice %arg7[%run_scoped3A_83, %dma_start3A_99] : memref<2x400xi32, #tpu.memory_space<vmem>> -> memref<1x400xi32, #tpu.memory_space<vmem>>
        %dma_start3A_101 = tpu.memref_squeeze %dma_start3A_100 : memref<1x400xi32, #tpu.memory_space<vmem>> -> memref<400xi32, #tpu.memory_space<vmem>>
        %dma_start3A_102 = arith.constant 0 : i32
        %dma_start3A_103 = arith.constant 0 : i32
        %dma_start3A_104 = tpu.memref_slice %arg10[%dma_start3A_102, %dma_start3A_103] : memref<10240x64xf32, #tpu.memory_space<vmem_shared>> -> memref<10240x64xf32, #tpu.memory_space<vmem_shared>>
        tpu.enqueue_indirect_dma source(%arg9 : memref<400x64xf32, #tpu.memory_space<vmem>>) target(%dma_start3A_104 : memref<10240x64xf32, #tpu.memory_space<vmem_shared>>) offsets(%dma_start3A_101 : memref<400xi32, #tpu.memory_space<vmem>>) semaphore(%run_scoped3A_98 : memref<!tpu.dma_semaphore, #tpu.memory_space<semaphore_mem>>) {add = true}
        %dma_wait3A_105 = arith.constant 0 : i32
        %dma_wait3A_106 = tpu.memref_slice %arg7[%run_scoped3A_83, %dma_wait3A_105] : memref<2x400xi32, #tpu.memory_space<vmem>> -> memref<1x400xi32, #tpu.memory_space<vmem>>
        %dma_wait3A_107 = tpu.memref_squeeze %dma_wait3A_106 : memref<1x400xi32, #tpu.memory_space<vmem>> -> memref<400xi32, #tpu.memory_space<vmem>>
        %dma_wait3A_108 = arith.constant 0 : i32
        %dma_wait3A_109 = arith.constant 0 : i32
        %dma_wait3A_110 = tpu.memref_slice %arg10[%dma_wait3A_108, %dma_wait3A_109] : memref<10240x64xf32, #tpu.memory_space<vmem_shared>> -> memref<10240x64xf32, #tpu.memory_space<vmem_shared>>
        tpu.wait_indirect_dma semaphore(%run_scoped3A_98 : memref<!tpu.dma_semaphore, #tpu.memory_space<semaphore_mem>>) src(%arg9 : memref<400x64xf32, #tpu.memory_space<vmem>>) dst(%dma_wait3A_110 : memref<10240x64xf32, #tpu.memory_space<vmem_shared>>)
        tpu.yield
      }) : () -> ()
      %mul3A_84 = arith.constant 2 : i32
      %mul3A_85 = arith.muli %mul3A_84, %scan3A_53 : i32
      %add3A_86 = arith.constant 3 : i32
      %add3A_87 = arith.addi %mul3A_85, %add3A_86 : i32
      %mul3A_88 = arith.constant 2 : i32
      %mul3A_89 = arith.muli %add3A_87, %mul3A_88 : i32
      %add3A_90 = arith.addi %mul3A_8, %mul3A_89 : i32
      "tpu.region"() ({
        %run_scoped3A_98 = tpu.sem_alloc : memref<!tpu.dma_semaphore, #tpu.memory_space<semaphore_mem>>
        %dma_start3A_99 = arith.constant 0 : i32
        %dma_start3A_100 = tpu.memref_slice %arg3[%add3A_90, %dma_start3A_99] : memref<3200x400xi32, #tpu.memory_space<hbm>> -> memref<2x400xi32, #tpu.memory_space<hbm>>
        %dma_start3A_101 = arith.constant 0 : i32
        %dma_start3A_102 = tpu.memref_slice %arg3[%add3A_90, %dma_start3A_101] : memref<3200x400xi32, #tpu.memory_space<hbm>> -> memref<2x400xi32, #tpu.memory_space<hbm>>
        tpu.enqueue_dma source(%dma_start3A_102 : memref<2x400xi32, #tpu.memory_space<hbm>>) target(%arg7 : memref<2x400xi32, #tpu.memory_space<vmem>>) target_semaphore(%run_scoped3A_98 : memref<!tpu.dma_semaphore, #tpu.memory_space<semaphore_mem>>)
        %dma_wait3A_103 = arith.constant 0 : i32
        %dma_wait3A_104 = tpu.memref_slice %arg3[%add3A_90, %dma_wait3A_103] : memref<3200x400xi32, #tpu.memory_space<hbm>> -> memref<2x400xi32, #tpu.memory_space<hbm>>
        %dma_wait3A_105 = arith.constant 0 : i32
        %dma_wait3A_106 = tpu.memref_slice %arg3[%add3A_90, %dma_wait3A_105] : memref<3200x400xi32, #tpu.memory_space<hbm>> -> memref<2x400xi32, #tpu.memory_space<hbm>>
        tpu.wait_dma2 semaphore(%run_scoped3A_98 : memref<!tpu.dma_semaphore, #tpu.memory_space<semaphore_mem>>) src(%dma_wait3A_106 : memref<2x400xi32, #tpu.memory_space<hbm>>) dst(%arg7 : memref<2x400xi32, #tpu.memory_space<vmem>>)
        tpu.yield
      }) : () -> ()
      %dma_start3A_91 = arith.constant 0 : i32
      %dma_start3A_92 = arith.constant 0 : i32
      %dma_start3A_93 = tpu.memref_slice %arg7[%dma_start3A_91, %dma_start3A_92] : memref<2x400xi32, #tpu.memory_space<vmem>> -> memref<1x400xi32, #tpu.memory_space<vmem>>
      %dma_start3A_94 = tpu.memref_squeeze %dma_start3A_93 : memref<1x400xi32, #tpu.memory_space<vmem>> -> memref<400xi32, #tpu.memory_space<vmem>>
      %dma_start3A_95 = arith.constant 0 : i32
      %dma_start3A_96 = arith.constant 0 : i32
      %dma_start3A_97 = tpu.memref_slice %arg2[%dma_start3A_95, %dma_start3A_96] : memref<20000x64xf32, #tpu.memory_space<hbm>> -> memref<20000x64xf32, #tpu.memory_space<hbm>>
      tpu.enqueue_indirect_dma source(%dma_start3A_97 : memref<20000x64xf32, #tpu.memory_space<hbm>>) target(%arg9 : memref<400x64xf32, #tpu.memory_space<vmem>>) offsets(%dma_start3A_94 : memref<400xi32, #tpu.memory_space<vmem>>) semaphore(%arg12 : memref<!tpu.dma_semaphore, #tpu.memory_space<semaphore_mem>>)
    }
    %scan3A_30 = arith.constant 24 : i32
    %dma_wait3A = arith.constant 0 : i32
    %dma_wait3A_31 = arith.constant 0 : i32
    %dma_wait3A_32 = tpu.memref_slice %arg6[%dma_wait3A, %dma_wait3A_31] : memref<2x400xi32, #tpu.memory_space<vmem>> -> memref<1x400xi32, #tpu.memory_space<vmem>>
    %dma_wait3A_33 = tpu.memref_squeeze %dma_wait3A_32 : memref<1x400xi32, #tpu.memory_space<vmem>> -> memref<400xi32, #tpu.memory_space<vmem>>
    %dma_wait3A_34 = arith.constant 0 : i32
    %dma_wait3A_35 = arith.constant 0 : i32
    %dma_wait3A_36 = tpu.memref_slice %arg2[%dma_wait3A_34, %dma_wait3A_35] : memref<20000x64xf32, #tpu.memory_space<hbm>> -> memref<20000x64xf32, #tpu.memory_space<hbm>>
    tpu.wait_indirect_dma semaphore(%arg11 : memref<!tpu.dma_semaphore, #tpu.memory_space<semaphore_mem>>) src(%dma_wait3A_36 : memref<20000x64xf32, #tpu.memory_space<hbm>>) dst(%arg8 : memref<400x64xf32, #tpu.memory_space<vmem>>)
    %run_scoped3A = arith.constant 1 : i32
    "tpu.region"() ({
      %run_scoped3A_53 = tpu.sem_alloc : memref<!tpu.dma_semaphore, #tpu.memory_space<semaphore_mem>>
      %dma_start3A_54 = arith.constant 0 : i32
      %dma_start3A_55 = tpu.memref_slice %arg6[%run_scoped3A, %dma_start3A_54] : memref<2x400xi32, #tpu.memory_space<vmem>> -> memref<1x400xi32, #tpu.memory_space<vmem>>
      %dma_start3A_56 = tpu.memref_squeeze %dma_start3A_55 : memref<1x400xi32, #tpu.memory_space<vmem>> -> memref<400xi32, #tpu.memory_space<vmem>>
      %dma_start3A_57 = arith.constant 0 : i32
      %dma_start3A_58 = arith.constant 0 : i32
      %dma_start3A_59 = tpu.memref_slice %arg10[%dma_start3A_57, %dma_start3A_58] : memref<10240x64xf32, #tpu.memory_space<vmem_shared>> -> memref<10240x64xf32, #tpu.memory_space<vmem_shared>>
      tpu.enqueue_indirect_dma source(%arg8 : memref<400x64xf32, #tpu.memory_space<vmem>>) target(%dma_start3A_59 : memref<10240x64xf32, #tpu.memory_space<vmem_shared>>) offsets(%dma_start3A_56 : memref<400xi32, #tpu.memory_space<vmem>>) semaphore(%run_scoped3A_53 : memref<!tpu.dma_semaphore, #tpu.memory_space<semaphore_mem>>) {add = true}
      %dma_wait3A_60 = arith.constant 0 : i32
      %dma_wait3A_61 = tpu.memref_slice %arg6[%run_scoped3A, %dma_wait3A_60] : memref<2x400xi32, #tpu.memory_space<vmem>> -> memref<1x400xi32, #tpu.memory_space<vmem>>
      %dma_wait3A_62 = tpu.memref_squeeze %dma_wait3A_61 : memref<1x400xi32, #tpu.memory_space<vmem>> -> memref<400xi32, #tpu.memory_space<vmem>>
      %dma_wait3A_63 = arith.constant 0 : i32
      %dma_wait3A_64 = arith.constant 0 : i32
      %dma_wait3A_65 = tpu.memref_slice %arg10[%dma_wait3A_63, %dma_wait3A_64] : memref<10240x64xf32, #tpu.memory_space<vmem_shared>> -> memref<10240x64xf32, #tpu.memory_space<vmem_shared>>
      tpu.wait_indirect_dma semaphore(%run_scoped3A_53 : memref<!tpu.dma_semaphore, #tpu.memory_space<semaphore_mem>>) src(%arg8 : memref<400x64xf32, #tpu.memory_space<vmem>>) dst(%dma_wait3A_65 : memref<10240x64xf32, #tpu.memory_space<vmem_shared>>)
      tpu.yield
    }) : () -> ()
    %dma_wait3A_37 = arith.constant 0 : i32
    %dma_wait3A_38 = arith.constant 0 : i32
    %dma_wait3A_39 = tpu.memref_slice %arg7[%dma_wait3A_37, %dma_wait3A_38] : memref<2x400xi32, #tpu.memory_space<vmem>> -> memref<1x400xi32, #tpu.memory_space<vmem>>
    %dma_wait3A_40 = tpu.memref_squeeze %dma_wait3A_39 : memref<1x400xi32, #tpu.memory_space<vmem>> -> memref<400xi32, #tpu.memory_space<vmem>>
    %dma_wait3A_41 = arith.constant 0 : i32
    %dma_wait3A_42 = arith.constant 0 : i32
    %dma_wait3A_43 = tpu.memref_slice %arg2[%dma_wait3A_41, %dma_wait3A_42] : memref<20000x64xf32, #tpu.memory_space<hbm>> -> memref<20000x64xf32, #tpu.memory_space<hbm>>
    tpu.wait_indirect_dma semaphore(%arg12 : memref<!tpu.dma_semaphore, #tpu.memory_space<semaphore_mem>>) src(%dma_wait3A_43 : memref<20000x64xf32, #tpu.memory_space<hbm>>) dst(%arg9 : memref<400x64xf32, #tpu.memory_space<vmem>>)
    %run_scoped3A_44 = arith.constant 1 : i32
    "tpu.region"() ({
      %run_scoped3A_53 = tpu.sem_alloc : memref<!tpu.dma_semaphore, #tpu.memory_space<semaphore_mem>>
      %dma_start3A_54 = arith.constant 0 : i32
      %dma_start3A_55 = tpu.memref_slice %arg7[%run_scoped3A_44, %dma_start3A_54] : memref<2x400xi32, #tpu.memory_space<vmem>> -> memref<1x400xi32, #tpu.memory_space<vmem>>
      %dma_start3A_56 = tpu.memref_squeeze %dma_start3A_55 : memref<1x400xi32, #tpu.memory_space<vmem>> -> memref<400xi32, #tpu.memory_space<vmem>>
      %dma_start3A_57 = arith.constant 0 : i32
      %dma_start3A_58 = arith.constant 0 : i32
      %dma_start3A_59 = tpu.memref_slice %arg10[%dma_start3A_57, %dma_start3A_58] : memref<10240x64xf32, #tpu.memory_space<vmem_shared>> -> memref<10240x64xf32, #tpu.memory_space<vmem_shared>>
      tpu.enqueue_indirect_dma source(%arg9 : memref<400x64xf32, #tpu.memory_space<vmem>>) target(%dma_start3A_59 : memref<10240x64xf32, #tpu.memory_space<vmem_shared>>) offsets(%dma_start3A_56 : memref<400xi32, #tpu.memory_space<vmem>>) semaphore(%run_scoped3A_53 : memref<!tpu.dma_semaphore, #tpu.memory_space<semaphore_mem>>) {add = true}
      %dma_wait3A_60 = arith.constant 0 : i32
      %dma_wait3A_61 = tpu.memref_slice %arg7[%run_scoped3A_44, %dma_wait3A_60] : memref<2x400xi32, #tpu.memory_space<vmem>> -> memref<1x400xi32, #tpu.memory_space<vmem>>
      %dma_wait3A_62 = tpu.memref_squeeze %dma_wait3A_61 : memref<1x400xi32, #tpu.memory_space<vmem>> -> memref<400xi32, #tpu.memory_space<vmem>>
      %dma_wait3A_63 = arith.constant 0 : i32
      %dma_wait3A_64 = arith.constant 0 : i32
      %dma_wait3A_65 = tpu.memref_slice %arg10[%dma_wait3A_63, %dma_wait3A_64] : memref<10240x64xf32, #tpu.memory_space<vmem_shared>> -> memref<10240x64xf32, #tpu.memory_space<vmem_shared>>
      tpu.wait_indirect_dma semaphore(%run_scoped3A_53 : memref<!tpu.dma_semaphore, #tpu.memory_space<semaphore_mem>>) src(%arg9 : memref<400x64xf32, #tpu.memory_space<vmem>>) dst(%dma_wait3A_65 : memref<10240x64xf32, #tpu.memory_space<vmem_shared>>)
      tpu.yield
    }) : () -> ()
    %barrier3A_45 = arith.constant 0 : index
    tpu.barrier barrier_id(%barrier3A_45)
    %mul3A_46 = arith.constant 640 : i32
    %mul3A_47 = arith.muli %arg1, %mul3A_46 : i32
    %mul3A_48 = arith.constant 10240 : i32
    %mul3A_49 = arith.muli %arg0, %mul3A_48 : i32
    %mul3A_50 = arith.constant 640 : i32
    %mul3A_51 = arith.muli %arg1, %mul3A_50 : i32
    %add3A_52 = arith.addi %mul3A_49, %mul3A_51 : i32
    "tpu.region"() ({
      %run_scoped3A_53 = tpu.sem_alloc : memref<!tpu.dma_semaphore, #tpu.memory_space<semaphore_mem>>
      %dma_start3A_54 = arith.constant 0 : i32
      %dma_start3A_55 = tpu.memref_slice %arg5[%add3A_52, %dma_start3A_54] : memref<20480x64xf32, #tpu.memory_space<hbm>> -> memref<640x64xf32, #tpu.memory_space<hbm>>
      %dma_start3A_56 = arith.constant 0 : i32
      %dma_start3A_57 = tpu.memref_slice %arg10[%mul3A_47, %dma_start3A_56] : memref<10240x64xf32, #tpu.memory_space<vmem_shared>> -> memref<640x64xf32, #tpu.memory_space<vmem_shared>>
      tpu.enqueue_dma source(%dma_start3A_57 : memref<640x64xf32, #tpu.memory_space<vmem_shared>>) target(%dma_start3A_55 : memref<640x64xf32, #tpu.memory_space<hbm>>) target_semaphore(%run_scoped3A_53 : memref<!tpu.dma_semaphore, #tpu.memory_space<semaphore_mem>>)
      %dma_wait3A_58 = arith.constant 0 : i32
      %dma_wait3A_59 = tpu.memref_slice %arg5[%add3A_52, %dma_wait3A_58] : memref<20480x64xf32, #tpu.memory_space<hbm>> -> memref<640x64xf32, #tpu.memory_space<hbm>>
      %dma_wait3A_60 = arith.constant 0 : i32
      %dma_wait3A_61 = tpu.memref_slice %arg10[%mul3A_47, %dma_wait3A_60] : memref<10240x64xf32, #tpu.memory_space<vmem_shared>> -> memref<640x64xf32, #tpu.memory_space<vmem_shared>>
      tpu.wait_dma2 semaphore(%run_scoped3A_53 : memref<!tpu.dma_semaphore, #tpu.memory_space<semaphore_mem>>) src(%dma_wait3A_61 : memref<640x64xf32, #tpu.memory_space<vmem_shared>>) dst(%dma_wait3A_59 : memref<640x64xf32, #tpu.memory_space<hbm>>)
      tpu.yield
    }) : () -> ()
    return
  }
}

#map = affine_map<(d0, d1) -> (0, 0)>
module attributes {stable_mosaic.version = 14 : i64} {
  func.func @agg(%arg0: i32, %arg1: i32, %arg2: memref<20000x64xf32, #tpu.memory_space<hbm>>, %arg3: memref<3200x400xi32, #tpu.memory_space<hbm>>, %arg4: memref<10240x64xf32, #tpu.memory_space<hbm>>, %arg5: memref<20480x64xf32, #tpu.memory_space<hbm>>, %arg6: memref<2x400xi32, #tpu.memory_space<vmem>>, %arg7: memref<2x400xi32, #tpu.memory_space<vmem>>, %arg8: memref<400x64xf32, #tpu.memory_space<vmem>>, %arg9: memref<400x64xf32, #tpu.memory_space<vmem>>, %arg10: memref<10240x64xf32, #tpu.memory_space<vmem_shared>>, %arg11: memref<!tpu.dma_semaphore, #tpu.memory_space<semaphore_mem>>, %arg12: memref<!tpu.dma_semaphore, #tpu.memory_space<semaphore_mem>>) attributes {dimension_semantics = [#tpu.dimension_semantics<core_parallel>, #tpu.dimension_semantics<subcore_parallel>], iteration_bounds = array<i64: 2, 16>, scalar_prefetch = 0 : i64, scratch_operands = 7 : i64, tpu.core_type = #tpu.core_type<sc_vector_subcore>, window_params = [{transform_indices = #map}, {transform_indices = #map}, {transform_indices = #map}, {transform_indices = #map}]} {
    %mul3A = arith.constant 640 : i32
    %mul3A_0 = arith.muli %arg1, %mul3A : i32
    %mul3A_1 = arith.constant 640 : i32
    %mul3A_2 = arith.muli %arg1, %mul3A_1 : i32
    "tpu.region"() ({
      %run_scoped3A_53 = tpu.sem_alloc : memref<!tpu.dma_semaphore, #tpu.memory_space<semaphore_mem>>
      %dma_start3A_54 = arith.constant 0 : i32
      %dma_start3A_55 = tpu.memref_slice %arg10[%mul3A_2, %dma_start3A_54] : memref<10240x64xf32, #tpu.memory_space<vmem_shared>> -> memref<640x64xf32, #tpu.memory_space<vmem_shared>>
      %dma_start3A_56 = arith.constant 0 : i32
      %dma_start3A_57 = tpu.memref_slice %arg4[%mul3A_0, %dma_start3A_56] : memref<10240x64xf32, #tpu.memory_space<hbm>> -> memref<640x64xf32, #tpu.memory_space<hbm>>
      tpu.enqueue_dma source(%dma_start3A_57 : memref<640x64xf32, #tpu.memory_space<hbm>>) target(%dma_start3A_55 : memref<640x64xf32, #tpu.memory_space<vmem_shared>>) target_semaphore(%run_scoped3A_53 : memref<!tpu.dma_semaphore, #tpu.memory_space<semaphore_mem>>)
      %dma_wait3A_58 = arith.constant 0 : i32
      %dma_wait3A_59 = tpu.memref_slice %arg10[%mul3A_2, %dma_wait3A_58] : memref<10240x64xf32, #tpu.memory_space<vmem_shared>> -> memref<640x64xf32, #tpu.memory_space<vmem_shared>>
      %dma_wait3A_60 = arith.constant 0 : i32
      %dma_wait3A_61 = tpu.memref_slice %arg4[%mul3A_0, %dma_wait3A_60] : memref<10240x64xf32, #tpu.memory_space<hbm>> -> memref<640x64xf32, #tpu.memory_space<hbm>>
      tpu.wait_dma2 semaphore(%run_scoped3A_53 : memref<!tpu.dma_semaphore, #tpu.memory_space<semaphore_mem>>) src(%dma_wait3A_61 : memref<640x64xf32, #tpu.memory_space<hbm>>) dst(%dma_wait3A_59 : memref<640x64xf32, #tpu.memory_space<vmem_shared>>)
      tpu.yield
    }) : () -> ()
    %barrier3A = arith.constant 0 : index
    tpu.barrier barrier_id(%barrier3A)
    %mul3A_3 = arith.constant 16 : i32
    %mul3A_4 = arith.muli %arg0, %mul3A_3 : i32
    %add3A = arith.addi %mul3A_4, %arg1 : i32
    %mul3A_5 = arith.constant 50 : i32
    %mul3A_6 = arith.muli %add3A, %mul3A_5 : i32
    %mul3A_7 = arith.constant 2 : i32
    %mul3A_8 = arith.muli %mul3A_6, %mul3A_7 : i32
    %add3A_9 = arith.constant 0 : i32
    %add3A_10 = arith.addi %mul3A_8, %add3A_9 : i32
    "tpu.region"() ({
      %run_scoped3A_53 = tpu.sem_alloc : memref<!tpu.dma_semaphore, #tpu.memory_space<semaphore_mem>>
      %dma_start3A_54 = arith.constant 0 : i32
      %dma_start3A_55 = tpu.memref_slice %arg3[%add3A_10, %dma_start3A_54] : memref<3200x400xi32, #tpu.memory_space<hbm>> -> memref<2x400xi32, #tpu.memory_space<hbm>>
      %dma_start3A_56 = arith.constant 0 : i32
      %dma_start3A_57 = tpu.memref_slice %arg3[%add3A_10, %dma_start3A_56] : memref<3200x400xi32, #tpu.memory_space<hbm>> -> memref<2x400xi32, #tpu.memory_space<hbm>>
      tpu.enqueue_dma source(%dma_start3A_57 : memref<2x400xi32, #tpu.memory_space<hbm>>) target(%arg6 : memref<2x400xi32, #tpu.memory_space<vmem>>) target_semaphore(%run_scoped3A_53 : memref<!tpu.dma_semaphore, #tpu.memory_space<semaphore_mem>>)
      %dma_wait3A_58 = arith.constant 0 : i32
      %dma_wait3A_59 = tpu.memref_slice %arg3[%add3A_10, %dma_wait3A_58] : memref<3200x400xi32, #tpu.memory_space<hbm>> -> memref<2x400xi32, #tpu.memory_space<hbm>>
      %dma_wait3A_60 = arith.constant 0 : i32
      %dma_wait3A_61 = tpu.memref_slice %arg3[%add3A_10, %dma_wait3A_60] : memref<3200x400xi32, #tpu.memory_space<hbm>> -> memref<2x400xi32, #tpu.memory_space<hbm>>
      tpu.wait_dma2 semaphore(%run_scoped3A_53 : memref<!tpu.dma_semaphore, #tpu.memory_space<semaphore_mem>>) src(%dma_wait3A_61 : memref<2x400xi32, #tpu.memory_space<hbm>>) dst(%arg6 : memref<2x400xi32, #tpu.memory_space<vmem>>)
      tpu.yield
    }) : () -> ()
    %dma_start3A = arith.constant 0 : i32
    %dma_start3A_11 = arith.constant 0 : i32
    %dma_start3A_12 = tpu.memref_slice %arg6[%dma_start3A, %dma_start3A_11] : memref<2x400xi32, #tpu.memory_space<vmem>> -> memref<1x400xi32, #tpu.memory_space<vmem>>
    %dma_start3A_13 = tpu.memref_squeeze %dma_start3A_12 : memref<1x400xi32, #tpu.memory_space<vmem>> -> memref<400xi32, #tpu.memory_space<vmem>>
    %dma_start3A_14 = arith.constant 0 : i32
    %dma_start3A_15 = arith.constant 0 : i32
    %dma_start3A_16 = tpu.memref_slice %arg2[%dma_start3A_14, %dma_start3A_15] : memref<20000x64xf32, #tpu.memory_space<hbm>> -> memref<20000x64xf32, #tpu.memory_space<hbm>>
    tpu.enqueue_indirect_dma source(%dma_start3A_16 : memref<20000x64xf32, #tpu.memory_space<hbm>>) target(%arg8 : memref<400x64xf32, #tpu.memory_space<vmem>>) offsets(%dma_start3A_13 : memref<400xi32, #tpu.memory_space<vmem>>) semaphore(%arg11 : memref<!tpu.dma_semaphore, #tpu.memory_space<semaphore_mem>>)
    %add3A_17 = arith.constant 2 : i32
    %add3A_18 = arith.addi %mul3A_8, %add3A_17 : i32
    "tpu.region"() ({
      %run_scoped3A_53 = tpu.sem_alloc : memref<!tpu.dma_semaphore, #tpu.memory_space<semaphore_mem>>
      %dma_start3A_54 = arith.constant 0 : i32
      %dma_start3A_55 = tpu.memref_slice %arg3[%add3A_18, %dma_start3A_54] : memref<3200x400xi32, #tpu.memory_space<hbm>> -> memref<2x400xi32, #tpu.memory_space<hbm>>
      %dma_start3A_56 = arith.constant 0 : i32
      %dma_start3A_57 = tpu.memref_slice %arg3[%add3A_18, %dma_start3A_56] : memref<3200x400xi32, #tpu.memory_space<hbm>> -> memref<2x400xi32, #tpu.memory_space<hbm>>
      tpu.enqueue_dma source(%dma_start3A_57 : memref<2x400xi32, #tpu.memory_space<hbm>>) target(%arg7 : memref<2x400xi32, #tpu.memory_space<vmem>>) target_semaphore(%run_scoped3A_53 : memref<!tpu.dma_semaphore, #tpu.memory_space<semaphore_mem>>)
      %dma_wait3A_58 = arith.constant 0 : i32
      %dma_wait3A_59 = tpu.memref_slice %arg3[%add3A_18, %dma_wait3A_58] : memref<3200x400xi32, #tpu.memory_space<hbm>> -> memref<2x400xi32, #tpu.memory_space<hbm>>
      %dma_wait3A_60 = arith.constant 0 : i32
      %dma_wait3A_61 = tpu.memref_slice %arg3[%add3A_18, %dma_wait3A_60] : memref<3200x400xi32, #tpu.memory_space<hbm>> -> memref<2x400xi32, #tpu.memory_space<hbm>>
      tpu.wait_dma2 semaphore(%run_scoped3A_53 : memref<!tpu.dma_semaphore, #tpu.memory_space<semaphore_mem>>) src(%dma_wait3A_61 : memref<2x400xi32, #tpu.memory_space<hbm>>) dst(%arg7 : memref<2x400xi32, #tpu.memory_space<vmem>>)
      tpu.yield
    }) : () -> ()
    %dma_start3A_19 = arith.constant 0 : i32
    %dma_start3A_20 = arith.constant 0 : i32
    %dma_start3A_21 = tpu.memref_slice %arg7[%dma_start3A_19, %dma_start3A_20] : memref<2x400xi32, #tpu.memory_space<vmem>> -> memref<1x400xi32, #tpu.memory_space<vmem>>
    %dma_start3A_22 = tpu.memref_squeeze %dma_start3A_21 : memref<1x400xi32, #tpu.memory_space<vmem>> -> memref<400xi32, #tpu.memory_space<vmem>>
    %dma_start3A_23 = arith.constant 0 : i32
    %dma_start3A_24 = arith.constant 0 : i32
    %dma_start3A_25 = tpu.memref_slice %arg2[%dma_start3A_23, %dma_start3A_24] : memref<20000x64xf32, #tpu.memory_space<hbm>> -> memref<20000x64xf32, #tpu.memory_space<hbm>>
    tpu.enqueue_indirect_dma source(%dma_start3A_25 : memref<20000x64xf32, #tpu.memory_space<hbm>>) target(%arg9 : memref<400x64xf32, #tpu.memory_space<vmem>>) offsets(%dma_start3A_22 : memref<400xi32, #tpu.memory_space<vmem>>) semaphore(%arg12 : memref<!tpu.dma_semaphore, #tpu.memory_space<semaphore_mem>>)
    %scan3A = arith.constant 0 : i32
    %scan3A_26 = arith.constant 0 : i32
    %scan3A_27 = arith.constant 24 : i32
    %scan3A_28 = arith.addi %scan3A_26, %scan3A_27 : i32
    %scan3A_29 = arith.constant 1 : i32
    scf.for %scan3A_53 = %scan3A_26 to %scan3A_28 step %scan3A_29  : i32 {
      %dma_wait3A_54 = arith.constant 0 : i32
      %dma_wait3A_55 = arith.constant 0 : i32
      %dma_wait3A_56 = tpu.memref_slice %arg6[%dma_wait3A_54, %dma_wait3A_55] : memref<2x400xi32, #tpu.memory_space<vmem>> -> memref<1x400xi32, #tpu.memory_space<vmem>>
      %dma_wait3A_57 = tpu.memref_squeeze %dma_wait3A_56 : memref<1x400xi32, #tpu.memory_space<vmem>> -> memref<400xi32, #tpu.memory_space<vmem>>
      %dma_wait3A_58 = arith.constant 0 : i32
      %dma_wait3A_59 = arith.constant 0 : i32
      %dma_wait3A_60 = tpu.memref_slice %arg2[%dma_wait3A_58, %dma_wait3A_59] : memref<20000x64xf32, #tpu.memory_space<hbm>> -> memref<20000x64xf32, #tpu.memory_space<hbm>>
      tpu.wait_indirect_dma semaphore(%arg11 : memref<!tpu.dma_semaphore, #tpu.memory_space<semaphore_mem>>) src(%dma_wait3A_60 : memref<20000x64xf32, #tpu.memory_space<hbm>>) dst(%arg8 : memref<400x64xf32, #tpu.memory_space<vmem>>)
      %run_scoped3A_61 = arith.constant 1 : i32
      "tpu.region"() ({
        %run_scoped3A_98 = tpu.sem_alloc : memref<!tpu.dma_semaphore, #tpu.memory_space<semaphore_mem>>
        %dma_start3A_99 = arith.constant 0 : i32
        %dma_start3A_100 = tpu.memref_slice %arg6[%run_scoped3A_61, %dma_start3A_99] : memref<2x400xi32, #tpu.memory_space<vmem>> -> memref<1x400xi32, #tpu.memory_space<vmem>>
        %dma_start3A_101 = tpu.memref_squeeze %dma_start3A_100 : memref<1x400xi32, #tpu.memory_space<vmem>> -> memref<400xi32, #tpu.memory_space<vmem>>
        %dma_start3A_102 = arith.constant 0 : i32
        %dma_start3A_103 = arith.constant 0 : i32
        %dma_start3A_104 = tpu.memref_slice %arg10[%dma_start3A_102, %dma_start3A_103] : memref<10240x64xf32, #tpu.memory_space<vmem_shared>> -> memref<10240x64xf32, #tpu.memory_space<vmem_shared>>
        tpu.enqueue_indirect_dma source(%arg8 : memref<400x64xf32, #tpu.memory_space<vmem>>) target(%dma_start3A_104 : memref<10240x64xf32, #tpu.memory_space<vmem_shared>>) offsets(%dma_start3A_101 : memref<400xi32, #tpu.memory_space<vmem>>) semaphore(%run_scoped3A_98 : memref<!tpu.dma_semaphore, #tpu.memory_space<semaphore_mem>>) {add = true}
        %dma_wait3A_105 = arith.constant 0 : i32
        %dma_wait3A_106 = tpu.memref_slice %arg6[%run_scoped3A_61, %dma_wait3A_105] : memref<2x400xi32, #tpu.memory_space<vmem>> -> memref<1x400xi32, #tpu.memory_space<vmem>>
        %dma_wait3A_107 = tpu.memref_squeeze %dma_wait3A_106 : memref<1x400xi32, #tpu.memory_space<vmem>> -> memref<400xi32, #tpu.memory_space<vmem>>
        %dma_wait3A_108 = arith.constant 0 : i32
        %dma_wait3A_109 = arith.constant 0 : i32
        %dma_wait3A_110 = tpu.memref_slice %arg10[%dma_wait3A_108, %dma_wait3A_109] : memref<10240x64xf32, #tpu.memory_space<vmem_shared>> -> memref<10240x64xf32, #tpu.memory_space<vmem_shared>>
        tpu.wait_indirect_dma semaphore(%run_scoped3A_98 : memref<!tpu.dma_semaphore, #tpu.memory_space<semaphore_mem>>) src(%arg8 : memref<400x64xf32, #tpu.memory_space<vmem>>) dst(%dma_wait3A_110 : memref<10240x64xf32, #tpu.memory_space<vmem_shared>>)
        tpu.yield
      }) : () -> ()
      %mul3A_62 = arith.constant 2 : i32
      %mul3A_63 = arith.muli %mul3A_62, %scan3A_53 : i32
      %add3A_64 = arith.constant 2 : i32
      %add3A_65 = arith.addi %mul3A_63, %add3A_64 : i32
      %mul3A_66 = arith.constant 2 : i32
      %mul3A_67 = arith.muli %add3A_65, %mul3A_66 : i32
      %add3A_68 = arith.addi %mul3A_8, %mul3A_67 : i32
      "tpu.region"() ({
        %run_scoped3A_98 = tpu.sem_alloc : memref<!tpu.dma_semaphore, #tpu.memory_space<semaphore_mem>>
        %dma_start3A_99 = arith.constant 0 : i32
        %dma_start3A_100 = tpu.memref_slice %arg3[%add3A_68, %dma_start3A_99] : memref<3200x400xi32, #tpu.memory_space<hbm>> -> memref<2x400xi32, #tpu.memory_space<hbm>>
        %dma_start3A_101 = arith.constant 0 : i32
        %dma_start3A_102 = tpu.memref_slice %arg3[%add3A_68, %dma_start3A_101] : memref<3200x400xi32, #tpu.memory_space<hbm>> -> memref<2x400xi32, #tpu.memory_space<hbm>>
        tpu.enqueue_dma source(%dma_start3A_102 : memref<2x400xi32, #tpu.memory_space<hbm>>) target(%arg6 : memref<2x400xi32, #tpu.memory_space<vmem>>) target_semaphore(%run_scoped3A_98 : memref<!tpu.dma_semaphore, #tpu.memory_space<semaphore_mem>>)
        %dma_wait3A_103 = arith.constant 0 : i32
        %dma_wait3A_104 = tpu.memref_slice %arg3[%add3A_68, %dma_wait3A_103] : memref<3200x400xi32, #tpu.memory_space<hbm>> -> memref<2x400xi32, #tpu.memory_space<hbm>>
        %dma_wait3A_105 = arith.constant 0 : i32
        %dma_wait3A_106 = tpu.memref_slice %arg3[%add3A_68, %dma_wait3A_105] : memref<3200x400xi32, #tpu.memory_space<hbm>> -> memref<2x400xi32, #tpu.memory_space<hbm>>
        tpu.wait_dma2 semaphore(%run_scoped3A_98 : memref<!tpu.dma_semaphore, #tpu.memory_space<semaphore_mem>>) src(%dma_wait3A_106 : memref<2x400xi32, #tpu.memory_space<hbm>>) dst(%arg6 : memref<2x400xi32, #tpu.memory_space<vmem>>)
        tpu.yield
      }) : () -> ()
      %dma_start3A_69 = arith.constant 0 : i32
      %dma_start3A_70 = arith.constant 0 : i32
      %dma_start3A_71 = tpu.memref_slice %arg6[%dma_start3A_69, %dma_start3A_70] : memref<2x400xi32, #tpu.memory_space<vmem>> -> memref<1x400xi32, #tpu.memory_space<vmem>>
      %dma_start3A_72 = tpu.memref_squeeze %dma_start3A_71 : memref<1x400xi32, #tpu.memory_space<vmem>> -> memref<400xi32, #tpu.memory_space<vmem>>
      %dma_start3A_73 = arith.constant 0 : i32
      %dma_start3A_74 = arith.constant 0 : i32
      %dma_start3A_75 = tpu.memref_slice %arg2[%dma_start3A_73, %dma_start3A_74] : memref<20000x64xf32, #tpu.memory_space<hbm>> -> memref<20000x64xf32, #tpu.memory_space<hbm>>
      tpu.enqueue_indirect_dma source(%dma_start3A_75 : memref<20000x64xf32, #tpu.memory_space<hbm>>) target(%arg8 : memref<400x64xf32, #tpu.memory_space<vmem>>) offsets(%dma_start3A_72 : memref<400xi32, #tpu.memory_space<vmem>>) semaphore(%arg11 : memref<!tpu.dma_semaphore, #tpu.memory_space<semaphore_mem>>)
      %dma_wait3A_76 = arith.constant 0 : i32
      %dma_wait3A_77 = arith.constant 0 : i32
      %dma_wait3A_78 = tpu.memref_slice %arg7[%dma_wait3A_76, %dma_wait3A_77] : memref<2x400xi32, #tpu.memory_space<vmem>> -> memref<1x400xi32, #tpu.memory_space<vmem>>
      %dma_wait3A_79 = tpu.memref_squeeze %dma_wait3A_78 : memref<1x400xi32, #tpu.memory_space<vmem>> -> memref<400xi32, #tpu.memory_space<vmem>>
      %dma_wait3A_80 = arith.constant 0 : i32
      %dma_wait3A_81 = arith.constant 0 : i32
      %dma_wait3A_82 = tpu.memref_slice %arg2[%dma_wait3A_80, %dma_wait3A_81] : memref<20000x64xf32, #tpu.memory_space<hbm>> -> memref<20000x64xf32, #tpu.memory_space<hbm>>
      tpu.wait_indirect_dma semaphore(%arg12 : memref<!tpu.dma_semaphore, #tpu.memory_space<semaphore_mem>>) src(%dma_wait3A_82 : memref<20000x64xf32, #tpu.memory_space<hbm>>) dst(%arg9 : memref<400x64xf32, #tpu.memory_space<vmem>>)
      %run_scoped3A_83 = arith.constant 1 : i32
      "tpu.region"() ({
        %run_scoped3A_98 = tpu.sem_alloc : memref<!tpu.dma_semaphore, #tpu.memory_space<semaphore_mem>>
        %dma_start3A_99 = arith.constant 0 : i32
        %dma_start3A_100 = tpu.memref_slice %arg7[%run_scoped3A_83, %dma_start3A_99] : memref<2x400xi32, #tpu.memory_space<vmem>> -> memref<1x400xi32, #tpu.memory_space<vmem>>
        %dma_start3A_101 = tpu.memref_squeeze %dma_start3A_100 : memref<1x400xi32, #tpu.memory_space<vmem>> -> memref<400xi32, #tpu.memory_space<vmem>>
        %dma_start3A_102 = arith.constant 0 : i32
        %dma_start3A_103 = arith.constant 0 : i32
        %dma_start3A_104 = tpu.memref_slice %arg10[%dma_start3A_102, %dma_start3A_103] : memref<10240x64xf32, #tpu.memory_space<vmem_shared>> -> memref<10240x64xf32, #tpu.memory_space<vmem_shared>>
        tpu.enqueue_indirect_dma source(%arg9 : memref<400x64xf32, #tpu.memory_space<vmem>>) target(%dma_start3A_104 : memref<10240x64xf32, #tpu.memory_space<vmem_shared>>) offsets(%dma_start3A_101 : memref<400xi32, #tpu.memory_space<vmem>>) semaphore(%run_scoped3A_98 : memref<!tpu.dma_semaphore, #tpu.memory_space<semaphore_mem>>) {add = true}
        %dma_wait3A_105 = arith.constant 0 : i32
        %dma_wait3A_106 = tpu.memref_slice %arg7[%run_scoped3A_83, %dma_wait3A_105] : memref<2x400xi32, #tpu.memory_space<vmem>> -> memref<1x400xi32, #tpu.memory_space<vmem>>
        %dma_wait3A_107 = tpu.memref_squeeze %dma_wait3A_106 : memref<1x400xi32, #tpu.memory_space<vmem>> -> memref<400xi32, #tpu.memory_space<vmem>>
        %dma_wait3A_108 = arith.constant 0 : i32
        %dma_wait3A_109 = arith.constant 0 : i32
        %dma_wait3A_110 = tpu.memref_slice %arg10[%dma_wait3A_108, %dma_wait3A_109] : memref<10240x64xf32, #tpu.memory_space<vmem_shared>> -> memref<10240x64xf32, #tpu.memory_space<vmem_shared>>
        tpu.wait_indirect_dma semaphore(%run_scoped3A_98 : memref<!tpu.dma_semaphore, #tpu.memory_space<semaphore_mem>>) src(%arg9 : memref<400x64xf32, #tpu.memory_space<vmem>>) dst(%dma_wait3A_110 : memref<10240x64xf32, #tpu.memory_space<vmem_shared>>)
        tpu.yield
      }) : () -> ()
      %mul3A_84 = arith.constant 2 : i32
      %mul3A_85 = arith.muli %mul3A_84, %scan3A_53 : i32
      %add3A_86 = arith.constant 3 : i32
      %add3A_87 = arith.addi %mul3A_85, %add3A_86 : i32
      %mul3A_88 = arith.constant 2 : i32
      %mul3A_89 = arith.muli %add3A_87, %mul3A_88 : i32
      %add3A_90 = arith.addi %mul3A_8, %mul3A_89 : i32
      "tpu.region"() ({
        %run_scoped3A_98 = tpu.sem_alloc : memref<!tpu.dma_semaphore, #tpu.memory_space<semaphore_mem>>
        %dma_start3A_99 = arith.constant 0 : i32
        %dma_start3A_100 = tpu.memref_slice %arg3[%add3A_90, %dma_start3A_99] : memref<3200x400xi32, #tpu.memory_space<hbm>> -> memref<2x400xi32, #tpu.memory_space<hbm>>
        %dma_start3A_101 = arith.constant 0 : i32
        %dma_start3A_102 = tpu.memref_slice %arg3[%add3A_90, %dma_start3A_101] : memref<3200x400xi32, #tpu.memory_space<hbm>> -> memref<2x400xi32, #tpu.memory_space<hbm>>
        tpu.enqueue_dma source(%dma_start3A_102 : memref<2x400xi32, #tpu.memory_space<hbm>>) target(%arg7 : memref<2x400xi32, #tpu.memory_space<vmem>>) target_semaphore(%run_scoped3A_98 : memref<!tpu.dma_semaphore, #tpu.memory_space<semaphore_mem>>)
        %dma_wait3A_103 = arith.constant 0 : i32
        %dma_wait3A_104 = tpu.memref_slice %arg3[%add3A_90, %dma_wait3A_103] : memref<3200x400xi32, #tpu.memory_space<hbm>> -> memref<2x400xi32, #tpu.memory_space<hbm>>
        %dma_wait3A_105 = arith.constant 0 : i32
        %dma_wait3A_106 = tpu.memref_slice %arg3[%add3A_90, %dma_wait3A_105] : memref<3200x400xi32, #tpu.memory_space<hbm>> -> memref<2x400xi32, #tpu.memory_space<hbm>>
        tpu.wait_dma2 semaphore(%run_scoped3A_98 : memref<!tpu.dma_semaphore, #tpu.memory_space<semaphore_mem>>) src(%dma_wait3A_106 : memref<2x400xi32, #tpu.memory_space<hbm>>) dst(%arg7 : memref<2x400xi32, #tpu.memory_space<vmem>>)
        tpu.yield
      }) : () -> ()
      %dma_start3A_91 = arith.constant 0 : i32
      %dma_start3A_92 = arith.constant 0 : i32
      %dma_start3A_93 = tpu.memref_slice %arg7[%dma_start3A_91, %dma_start3A_92] : memref<2x400xi32, #tpu.memory_space<vmem>> -> memref<1x400xi32, #tpu.memory_space<vmem>>
      %dma_start3A_94 = tpu.memref_squeeze %dma_start3A_93 : memref<1x400xi32, #tpu.memory_space<vmem>> -> memref<400xi32, #tpu.memory_space<vmem>>
      %dma_start3A_95 = arith.constant 0 : i32
      %dma_start3A_96 = arith.constant 0 : i32
      %dma_start3A_97 = tpu.memref_slice %arg2[%dma_start3A_95, %dma_start3A_96] : memref<20000x64xf32, #tpu.memory_space<hbm>> -> memref<20000x64xf32, #tpu.memory_space<hbm>>
      tpu.enqueue_indirect_dma source(%dma_start3A_97 : memref<20000x64xf32, #tpu.memory_space<hbm>>) target(%arg9 : memref<400x64xf32, #tpu.memory_space<vmem>>) offsets(%dma_start3A_94 : memref<400xi32, #tpu.memory_space<vmem>>) semaphore(%arg12 : memref<!tpu.dma_semaphore, #tpu.memory_space<semaphore_mem>>)
    }
    %scan3A_30 = arith.constant 24 : i32
    %dma_wait3A = arith.constant 0 : i32
    %dma_wait3A_31 = arith.constant 0 : i32
    %dma_wait3A_32 = tpu.memref_slice %arg6[%dma_wait3A, %dma_wait3A_31] : memref<2x400xi32, #tpu.memory_space<vmem>> -> memref<1x400xi32, #tpu.memory_space<vmem>>
    %dma_wait3A_33 = tpu.memref_squeeze %dma_wait3A_32 : memref<1x400xi32, #tpu.memory_space<vmem>> -> memref<400xi32, #tpu.memory_space<vmem>>
    %dma_wait3A_34 = arith.constant 0 : i32
    %dma_wait3A_35 = arith.constant 0 : i32
    %dma_wait3A_36 = tpu.memref_slice %arg2[%dma_wait3A_34, %dma_wait3A_35] : memref<20000x64xf32, #tpu.memory_space<hbm>> -> memref<20000x64xf32, #tpu.memory_space<hbm>>
    tpu.wait_indirect_dma semaphore(%arg11 : memref<!tpu.dma_semaphore, #tpu.memory_space<semaphore_mem>>) src(%dma_wait3A_36 : memref<20000x64xf32, #tpu.memory_space<hbm>>) dst(%arg8 : memref<400x64xf32, #tpu.memory_space<vmem>>)
    %run_scoped3A = arith.constant 1 : i32
    "tpu.region"() ({
      %run_scoped3A_53 = tpu.sem_alloc : memref<!tpu.dma_semaphore, #tpu.memory_space<semaphore_mem>>
      %dma_start3A_54 = arith.constant 0 : i32
      %dma_start3A_55 = tpu.memref_slice %arg6[%run_scoped3A, %dma_start3A_54] : memref<2x400xi32, #tpu.memory_space<vmem>> -> memref<1x400xi32, #tpu.memory_space<vmem>>
      %dma_start3A_56 = tpu.memref_squeeze %dma_start3A_55 : memref<1x400xi32, #tpu.memory_space<vmem>> -> memref<400xi32, #tpu.memory_space<vmem>>
      %dma_start3A_57 = arith.constant 0 : i32
      %dma_start3A_58 = arith.constant 0 : i32
      %dma_start3A_59 = tpu.memref_slice %arg10[%dma_start3A_57, %dma_start3A_58] : memref<10240x64xf32, #tpu.memory_space<vmem_shared>> -> memref<10240x64xf32, #tpu.memory_space<vmem_shared>>
      tpu.enqueue_indirect_dma source(%arg8 : memref<400x64xf32, #tpu.memory_space<vmem>>) target(%dma_start3A_59 : memref<10240x64xf32, #tpu.memory_space<vmem_shared>>) offsets(%dma_start3A_56 : memref<400xi32, #tpu.memory_space<vmem>>) semaphore(%run_scoped3A_53 : memref<!tpu.dma_semaphore, #tpu.memory_space<semaphore_mem>>) {add = true}
      %dma_wait3A_60 = arith.constant 0 : i32
      %dma_wait3A_61 = tpu.memref_slice %arg6[%run_scoped3A, %dma_wait3A_60] : memref<2x400xi32, #tpu.memory_space<vmem>> -> memref<1x400xi32, #tpu.memory_space<vmem>>
      %dma_wait3A_62 = tpu.memref_squeeze %dma_wait3A_61 : memref<1x400xi32, #tpu.memory_space<vmem>> -> memref<400xi32, #tpu.memory_space<vmem>>
      %dma_wait3A_63 = arith.constant 0 : i32
      %dma_wait3A_64 = arith.constant 0 : i32
      %dma_wait3A_65 = tpu.memref_slice %arg10[%dma_wait3A_63, %dma_wait3A_64] : memref<10240x64xf32, #tpu.memory_space<vmem_shared>> -> memref<10240x64xf32, #tpu.memory_space<vmem_shared>>
      tpu.wait_indirect_dma semaphore(%run_scoped3A_53 : memref<!tpu.dma_semaphore, #tpu.memory_space<semaphore_mem>>) src(%arg8 : memref<400x64xf32, #tpu.memory_space<vmem>>) dst(%dma_wait3A_65 : memref<10240x64xf32, #tpu.memory_space<vmem_shared>>)
      tpu.yield
    }) : () -> ()
    %dma_wait3A_37 = arith.constant 0 : i32
    %dma_wait3A_38 = arith.constant 0 : i32
    %dma_wait3A_39 = tpu.memref_slice %arg7[%dma_wait3A_37, %dma_wait3A_38] : memref<2x400xi32, #tpu.memory_space<vmem>> -> memref<1x400xi32, #tpu.memory_space<vmem>>
    %dma_wait3A_40 = tpu.memref_squeeze %dma_wait3A_39 : memref<1x400xi32, #tpu.memory_space<vmem>> -> memref<400xi32, #tpu.memory_space<vmem>>
    %dma_wait3A_41 = arith.constant 0 : i32
    %dma_wait3A_42 = arith.constant 0 : i32
    %dma_wait3A_43 = tpu.memref_slice %arg2[%dma_wait3A_41, %dma_wait3A_42] : memref<20000x64xf32, #tpu.memory_space<hbm>> -> memref<20000x64xf32, #tpu.memory_space<hbm>>
    tpu.wait_indirect_dma semaphore(%arg12 : memref<!tpu.dma_semaphore, #tpu.memory_space<semaphore_mem>>) src(%dma_wait3A_43 : memref<20000x64xf32, #tpu.memory_space<hbm>>) dst(%arg9 : memref<400x64xf32, #tpu.memory_space<vmem>>)
    %run_scoped3A_44 = arith.constant 1 : i32
    "tpu.region"() ({
      %run_scoped3A_53 = tpu.sem_alloc : memref<!tpu.dma_semaphore, #tpu.memory_space<semaphore_mem>>
      %dma_start3A_54 = arith.constant 0 : i32
      %dma_start3A_55 = tpu.memref_slice %arg7[%run_scoped3A_44, %dma_start3A_54] : memref<2x400xi32, #tpu.memory_space<vmem>> -> memref<1x400xi32, #tpu.memory_space<vmem>>
      %dma_start3A_56 = tpu.memref_squeeze %dma_start3A_55 : memref<1x400xi32, #tpu.memory_space<vmem>> -> memref<400xi32, #tpu.memory_space<vmem>>
      %dma_start3A_57 = arith.constant 0 : i32
      %dma_start3A_58 = arith.constant 0 : i32
      %dma_start3A_59 = tpu.memref_slice %arg10[%dma_start3A_57, %dma_start3A_58] : memref<10240x64xf32, #tpu.memory_space<vmem_shared>> -> memref<10240x64xf32, #tpu.memory_space<vmem_shared>>
      tpu.enqueue_indirect_dma source(%arg9 : memref<400x64xf32, #tpu.memory_space<vmem>>) target(%dma_start3A_59 : memref<10240x64xf32, #tpu.memory_space<vmem_shared>>) offsets(%dma_start3A_56 : memref<400xi32, #tpu.memory_space<vmem>>) semaphore(%run_scoped3A_53 : memref<!tpu.dma_semaphore, #tpu.memory_space<semaphore_mem>>) {add = true}
      %dma_wait3A_60 = arith.constant 0 : i32
      %dma_wait3A_61 = tpu.memref_slice %arg7[%run_scoped3A_44, %dma_wait3A_60] : memref<2x400xi32, #tpu.memory_space<vmem>> -> memref<1x400xi32, #tpu.memory_space<vmem>>
      %dma_wait3A_62 = tpu.memref_squeeze %dma_wait3A_61 : memref<1x400xi32, #tpu.memory_space<vmem>> -> memref<400xi32, #tpu.memory_space<vmem>>
      %dma_wait3A_63 = arith.constant 0 : i32
      %dma_wait3A_64 = arith.constant 0 : i32
      %dma_wait3A_65 = tpu.memref_slice %arg10[%dma_wait3A_63, %dma_wait3A_64] : memref<10240x64xf32, #tpu.memory_space<vmem_shared>> -> memref<10240x64xf32, #tpu.memory_space<vmem_shared>>
      tpu.wait_indirect_dma semaphore(%run_scoped3A_53 : memref<!tpu.dma_semaphore, #tpu.memory_space<semaphore_mem>>) src(%arg9 : memref<400x64xf32, #tpu.memory_space<vmem>>) dst(%dma_wait3A_65 : memref<10240x64xf32, #tpu.memory_space<vmem_shared>>)
      tpu.yield
    }) : () -> ()
    %barrier3A_45 = arith.constant 0 : index
    tpu.barrier barrier_id(%barrier3A_45)
    %mul3A_46 = arith.constant 640 : i32
    %mul3A_47 = arith.muli %arg1, %mul3A_46 : i32
    %mul3A_48 = arith.constant 10240 : i32
    %mul3A_49 = arith.muli %arg0, %mul3A_48 : i32
    %mul3A_50 = arith.constant 640 : i32
    %mul3A_51 = arith.muli %arg1, %mul3A_50 : i32
    %add3A_52 = arith.addi %mul3A_49, %mul3A_51 : i32
    "tpu.region"() ({
      %run_scoped3A_53 = tpu.sem_alloc : memref<!tpu.dma_semaphore, #tpu.memory_space<semaphore_mem>>
      %dma_start3A_54 = arith.constant 0 : i32
      %dma_start3A_55 = tpu.memref_slice %arg5[%add3A_52, %dma_start3A_54] : memref<20480x64xf32, #tpu.memory_space<hbm>> -> memref<640x64xf32, #tpu.memory_space<hbm>>
      %dma_start3A_56 = arith.constant 0 : i32
      %dma_start3A_57 = tpu.memref_slice %arg10[%mul3A_47, %dma_start3A_56] : memref<10240x64xf32, #tpu.memory_space<vmem_shared>> -> memref<640x64xf32, #tpu.memory_space<vmem_shared>>
      tpu.enqueue_dma source(%dma_start3A_57 : memref<640x64xf32, #tpu.memory_space<vmem_shared>>) target(%dma_start3A_55 : memref<640x64xf32, #tpu.memory_space<hbm>>) target_semaphore(%run_scoped3A_53 : memref<!tpu.dma_semaphore, #tpu.memory_space<semaphore_mem>>)
      %dma_wait3A_58 = arith.constant 0 : i32
      %dma_wait3A_59 = tpu.memref_slice %arg5[%add3A_52, %dma_wait3A_58] : memref<20480x64xf32, #tpu.memory_space<hbm>> -> memref<640x64xf32, #tpu.memory_space<hbm>>
      %dma_wait3A_60 = arith.constant 0 : i32
      %dma_wait3A_61 = tpu.memref_slice %arg10[%mul3A_47, %dma_wait3A_60] : memref<10240x64xf32, #tpu.memory_space<vmem_shared>> -> memref<640x64xf32, #tpu.memory_space<vmem_shared>>
      tpu.wait_dma2 semaphore(%run_scoped3A_53 : memref<!tpu.dma_semaphore, #tpu.memory_space<semaphore_mem>>) src(%dma_wait3A_61 : memref<640x64xf32, #tpu.memory_space<vmem_shared>>) dst(%dma_wait3A_59 : memref<640x64xf32, #tpu.memory_space<hbm>>)
      tpu.yield
    }) : () -> ()
    return
  }
}

module attributes {stable_mosaic.version = 14 : i64} {
  func.func @_dense_body(%arg0: memref<10000x128xf32, #tpu.memory_space<vmem>>, %arg1: memref<10000x64xf32, #tpu.memory_space<vmem>>, %arg2: memref<10000x64xf32, #tpu.memory_space<vmem>>, %arg3: memref<128x256xf32, #tpu.memory_space<vmem>>, %arg4: memref<256x128xf32, #tpu.memory_space<vmem>>, %arg5: memref<1x256xf32, #tpu.memory_space<vmem>>, %arg6: memref<1x256xf32, #tpu.memory_space<vmem>>, %arg7: memref<1x128xf32, #tpu.memory_space<vmem>>, %arg8: memref<1x128xf32, #tpu.memory_space<vmem>>, %arg9: memref<1x10000xi32, #tpu.memory_space<vmem>>, %arg10: memref<10000x128xf32, #tpu.memory_space<vmem>>, %arg11: memref<64x128xf32, #tpu.memory_space<vmem>>) attributes {dimension_semantics = [], scalar_prefetch = 0 : i64, scratch_operands = 0 : i64, tpu.core_type = #tpu.core_type<tc>} {
    %get3A = arith.constant 0 : index
    %get3A_0 = arith.constant 0 : index
    %get3A_1 = vector.load %arg0[%get3A, %get3A_0] : memref<10000x128xf32, #tpu.memory_space<vmem>>, vector<10000x128xf32>
    %get3A_2 = arith.constant 0 : index
    %get3A_3 = arith.constant 0 : index
    %get3A_4 = vector.load %arg1[%get3A_2, %get3A_3] : memref<10000x64xf32, #tpu.memory_space<vmem>>, vector<10000x64xf32>
    %get3A_5 = arith.constant 0 : index
    %get3A_6 = arith.constant 0 : index
    %get3A_7 = vector.load %arg2[%get3A_5, %get3A_6] : memref<10000x64xf32, #tpu.memory_space<vmem>>, vector<10000x64xf32>
    %concatenate3A = tpu.concatenate %get3A_4, %get3A_7 in 1 : vector<10000x64xf32>, vector<10000x64xf32> -> vector<10000x128xf32>
    %add3A = arith.addf %get3A_1, %concatenate3A : vector<10000x128xf32>
    %get3A_8 = arith.constant 0 : index
    %get3A_9 = arith.constant 0 : index
    %get3A_10 = vector.load %arg3[%get3A_8, %get3A_9] : memref<128x256xf32, #tpu.memory_space<vmem>>, vector<128x256xf32>
    %dot_general3A = arith.constant dense<0.000000e+00> : vector<10000x256xf32>
    %dot_general3A_11 = tpu.matmul %add3A, %get3A_10, %dot_general3A {dimension_numbers = #tpu.dot_dimension_numbers<[1], [0], [0], [1], [0, 0, 1, 1], [], []>, transpose_lhs_hint = false} : vector<10000x128xf32>, vector<128x256xf32>, vector<10000x256xf32> -> vector<10000x256xf32>
    %reduce_sum3A = arith.constant dense<0.000000e+00> : vector<256xf32>
    %reduce_sum3A_12 = vector.multi_reduction <add>, %dot_general3A_11, %reduce_sum3A [0] : vector<10000x256xf32> to vector<256xf32>
    %broadcast_in_dim3A = vector.shape_cast %reduce_sum3A_12 : vector<256xf32> to vector<1x256xf32>
    %div3A = arith.constant 1.000000e+04 : f32
    %div3A_13 = vector.broadcast %div3A : f32 to vector<1x256xf32>
    %div3A_14 = arith.divf %broadcast_in_dim3A, %div3A_13 : vector<1x256xf32>
    %sub3A = vector.broadcast %div3A_14 : vector<1x256xf32> to vector<10000x256xf32>
    %sub3A_15 = arith.subf %dot_general3A_11, %sub3A : vector<10000x256xf32>
    %mul3A = arith.mulf %sub3A_15, %sub3A_15 : vector<10000x256xf32>
    %reduce_sum3A_16 = arith.constant dense<0.000000e+00> : vector<256xf32>
    %reduce_sum3A_17 = vector.multi_reduction <add>, %mul3A, %reduce_sum3A_16 [0] : vector<10000x256xf32> to vector<256xf32>
    %broadcast_in_dim3A_18 = vector.shape_cast %reduce_sum3A_17 : vector<256xf32> to vector<1x256xf32>
    %div3A_19 = arith.constant 1.000000e+04 : f32
    %div3A_20 = vector.broadcast %div3A_19 : f32 to vector<1x256xf32>
    %div3A_21 = arith.divf %broadcast_in_dim3A_18, %div3A_20 : vector<1x256xf32>
    %get3A_22 = arith.constant 0 : index
    %get3A_23 = arith.constant 0 : index
    %get3A_24 = vector.load %arg5[%get3A_22, %get3A_23] : memref<1x256xf32, #tpu.memory_space<vmem>>, vector<1x256xf32>
    %add3A_25 = arith.constant 9.99999974E-6 : f32
    %add3A_26 = vector.broadcast %add3A_25 : f32 to vector<1x256xf32>
    %add3A_27 = arith.addf %div3A_21, %add3A_26 : vector<1x256xf32>
    %rsqrt3A = math.rsqrt %add3A_27 : vector<1x256xf32>
    %mul3A_28 = arith.mulf %get3A_24, %rsqrt3A : vector<1x256xf32>
    %mul3A_29 = vector.broadcast %mul3A_28 : vector<1x256xf32> to vector<10000x256xf32>
    %mul3A_30 = arith.mulf %sub3A_15, %mul3A_29 : vector<10000x256xf32>
    %get3A_31 = arith.constant 0 : index
    %get3A_32 = arith.constant 0 : index
    %get3A_33 = vector.load %arg6[%get3A_31, %get3A_32] : memref<1x256xf32, #tpu.memory_space<vmem>>, vector<1x256xf32>
    %add3A_34 = vector.broadcast %get3A_33 : vector<1x256xf32> to vector<10000x256xf32>
    %add3A_35 = arith.addf %mul3A_30, %add3A_34 : vector<10000x256xf32>
    %max3A = arith.constant 0.000000e+00 : f32
    %max3A_36 = vector.broadcast %max3A : f32 to vector<10000x256xf32>
    %max3A_37 = arith.maximumf %add3A_35, %max3A_36 : vector<10000x256xf32>
    %get3A_38 = arith.constant 0 : index
    %get3A_39 = arith.constant 0 : index
    %get3A_40 = vector.load %arg4[%get3A_38, %get3A_39] : memref<256x128xf32, #tpu.memory_space<vmem>>, vector<256x128xf32>
    %dot_general3A_41 = arith.constant dense<0.000000e+00> : vector<10000x128xf32>
    %dot_general3A_42 = tpu.matmul %max3A_37, %get3A_40, %dot_general3A_41 {dimension_numbers = #tpu.dot_dimension_numbers<[1], [0], [0], [1], [0, 0, 1, 1], [], []>, transpose_lhs_hint = false} : vector<10000x256xf32>, vector<256x128xf32>, vector<10000x128xf32> -> vector<10000x128xf32>
    %reduce_sum3A_43 = arith.constant dense<0.000000e+00> : vector<128xf32>
    %reduce_sum3A_44 = vector.multi_reduction <add>, %dot_general3A_42, %reduce_sum3A_43 [0] : vector<10000x128xf32> to vector<128xf32>
    %broadcast_in_dim3A_45 = vector.shape_cast %reduce_sum3A_44 : vector<128xf32> to vector<1x128xf32>
    %div3A_46 = arith.constant 1.000000e+04 : f32
    %div3A_47 = vector.broadcast %div3A_46 : f32 to vector<1x128xf32>
    %div3A_48 = arith.divf %broadcast_in_dim3A_45, %div3A_47 : vector<1x128xf32>
    %sub3A_49 = vector.broadcast %div3A_48 : vector<1x128xf32> to vector<10000x128xf32>
    %sub3A_50 = arith.subf %dot_general3A_42, %sub3A_49 : vector<10000x128xf32>
    %mul3A_51 = arith.mulf %sub3A_50, %sub3A_50 : vector<10000x128xf32>
    %reduce_sum3A_52 = arith.constant dense<0.000000e+00> : vector<128xf32>
    %reduce_sum3A_53 = vector.multi_reduction <add>, %mul3A_51, %reduce_sum3A_52 [0] : vector<10000x128xf32> to vector<128xf32>
    %broadcast_in_dim3A_54 = vector.shape_cast %reduce_sum3A_53 : vector<128xf32> to vector<1x128xf32>
    %div3A_55 = arith.constant 1.000000e+04 : f32
    %div3A_56 = vector.broadcast %div3A_55 : f32 to vector<1x128xf32>
    %div3A_57 = arith.divf %broadcast_in_dim3A_54, %div3A_56 : vector<1x128xf32>
    %get3A_58 = arith.constant 0 : index
    %get3A_59 = arith.constant 0 : index
    %get3A_60 = vector.load %arg7[%get3A_58, %get3A_59] : memref<1x128xf32, #tpu.memory_space<vmem>>, vector<1x128xf32>
    %add3A_61 = arith.constant 9.99999974E-6 : f32
    %add3A_62 = vector.broadcast %add3A_61 : f32 to vector<1x128xf32>
    %add3A_63 = arith.addf %div3A_57, %add3A_62 : vector<1x128xf32>
    %rsqrt3A_64 = math.rsqrt %add3A_63 : vector<1x128xf32>
    %mul3A_65 = arith.mulf %get3A_60, %rsqrt3A_64 : vector<1x128xf32>
    %mul3A_66 = vector.broadcast %mul3A_65 : vector<1x128xf32> to vector<10000x128xf32>
    %mul3A_67 = arith.mulf %sub3A_50, %mul3A_66 : vector<10000x128xf32>
    %get3A_68 = arith.constant 0 : index
    %get3A_69 = arith.constant 0 : index
    %get3A_70 = vector.load %arg8[%get3A_68, %get3A_69] : memref<1x128xf32, #tpu.memory_space<vmem>>, vector<1x128xf32>
    %add3A_71 = vector.broadcast %get3A_70 : vector<1x128xf32> to vector<10000x128xf32>
    %add3A_72 = arith.addf %mul3A_67, %add3A_71 : vector<10000x128xf32>
    %max3A_73 = arith.constant 0.000000e+00 : f32
    %max3A_74 = vector.broadcast %max3A_73 : f32 to vector<10000x128xf32>
    %max3A_75 = arith.maximumf %add3A_72, %max3A_74 : vector<10000x128xf32>
    %swap3A = arith.constant 0 : index
    %swap3A_76 = arith.constant 0 : index
    %swap3A_77 = vector.load %arg10[%swap3A, %swap3A_76] : memref<10000x128xf32, #tpu.memory_space<vmem>>, vector<10000x128xf32>
    tpu.vector_store %arg10[%swap3A, %swap3A_76], %max3A_75 {strides = array<i32>} : memref<10000x128xf32, #tpu.memory_space<vmem>>, vector<10000x128xf32>,
    %iota3A = tpu.iota {dimensions = array<i32: 0>} : vector<64x10000xi32>
    %get3A_78 = arith.constant 0 : index
    %get3A_79 = arith.constant 0 : index
    %get3A_80 = vector.load %arg9[%get3A_78, %get3A_79] : memref<1x10000xi32, #tpu.memory_space<vmem>>, vector<1x10000xi32>
    %eq3A = vector.broadcast %get3A_80 : vector<1x10000xi32> to vector<64x10000xi32>
    %eq3A_81 = arith.cmpi eq, %iota3A, %eq3A : vector<64x10000xi32>
    %convert_element_type3A = arith.extui %eq3A_81 : vector<64x10000xi1> to vector<64x10000xi32>
    %convert_element_type3A_82 = arith.sitofp %convert_element_type3A : vector<64x10000xi32> to vector<64x10000xf32>
    %dot_general3A_83 = arith.constant dense<0.000000e+00> : vector<64x128xf32>
    %dot_general3A_84 = tpu.matmul %convert_element_type3A_82, %max3A_75, %dot_general3A_83 {dimension_numbers = #tpu.dot_dimension_numbers<[1], [0], [0], [1], [0, 0, 1, 1], [], []>, transpose_lhs_hint = false} : vector<64x10000xf32>, vector<10000x128xf32>, vector<64x128xf32> -> vector<64x128xf32>
    %swap3A_85 = arith.constant 0 : index
    %swap3A_86 = arith.constant 0 : index
    %swap3A_87 = vector.load %arg11[%swap3A_85, %swap3A_86] : memref<64x128xf32, #tpu.memory_space<vmem>>, vector<64x128xf32>
    tpu.vector_store %arg11[%swap3A_85, %swap3A_86], %dot_general3A_84 {strides = array<i32>} : memref<64x128xf32, #tpu.memory_space<vmem>>, vector<64x128xf32>,
    return
  }
}

module attributes {stable_mosaic.version = 14 : i64} {
  func.func @_dense_body(%arg0: memref<10000x128xf32, #tpu.memory_space<vmem>>, %arg1: memref<10000x64xf32, #tpu.memory_space<vmem>>, %arg2: memref<10000x64xf32, #tpu.memory_space<vmem>>, %arg3: memref<128x256xf32, #tpu.memory_space<vmem>>, %arg4: memref<256x128xf32, #tpu.memory_space<vmem>>, %arg5: memref<1x256xf32, #tpu.memory_space<vmem>>, %arg6: memref<1x256xf32, #tpu.memory_space<vmem>>, %arg7: memref<1x128xf32, #tpu.memory_space<vmem>>, %arg8: memref<1x128xf32, #tpu.memory_space<vmem>>, %arg9: memref<1x10000xi32, #tpu.memory_space<vmem>>, %arg10: memref<10000x128xf32, #tpu.memory_space<vmem>>, %arg11: memref<64x128xf32, #tpu.memory_space<vmem>>) attributes {dimension_semantics = [], scalar_prefetch = 0 : i64, scratch_operands = 0 : i64, tpu.core_type = #tpu.core_type<tc>} {
    %get3A = arith.constant 0 : index
    %get3A_0 = arith.constant 0 : index
    %get3A_1 = vector.load %arg0[%get3A, %get3A_0] : memref<10000x128xf32, #tpu.memory_space<vmem>>, vector<10000x128xf32>
    %get3A_2 = arith.constant 0 : index
    %get3A_3 = arith.constant 0 : index
    %get3A_4 = vector.load %arg1[%get3A_2, %get3A_3] : memref<10000x64xf32, #tpu.memory_space<vmem>>, vector<10000x64xf32>
    %get3A_5 = arith.constant 0 : index
    %get3A_6 = arith.constant 0 : index
    %get3A_7 = vector.load %arg2[%get3A_5, %get3A_6] : memref<10000x64xf32, #tpu.memory_space<vmem>>, vector<10000x64xf32>
    %concatenate3A = tpu.concatenate %get3A_4, %get3A_7 in 1 : vector<10000x64xf32>, vector<10000x64xf32> -> vector<10000x128xf32>
    %add3A = arith.addf %get3A_1, %concatenate3A : vector<10000x128xf32>
    %get3A_8 = arith.constant 0 : index
    %get3A_9 = arith.constant 0 : index
    %get3A_10 = vector.load %arg3[%get3A_8, %get3A_9] : memref<128x256xf32, #tpu.memory_space<vmem>>, vector<128x256xf32>
    %dot_general3A = arith.constant dense<0.000000e+00> : vector<10000x256xf32>
    %dot_general3A_11 = tpu.matmul %add3A, %get3A_10, %dot_general3A {dimension_numbers = #tpu.dot_dimension_numbers<[1], [0], [0], [1], [0, 0, 1, 1], [], []>, transpose_lhs_hint = false} : vector<10000x128xf32>, vector<128x256xf32>, vector<10000x256xf32> -> vector<10000x256xf32>
    %reduce_sum3A = arith.constant dense<0.000000e+00> : vector<256xf32>
    %reduce_sum3A_12 = vector.multi_reduction <add>, %dot_general3A_11, %reduce_sum3A [0] : vector<10000x256xf32> to vector<256xf32>
    %broadcast_in_dim3A = vector.shape_cast %reduce_sum3A_12 : vector<256xf32> to vector<1x256xf32>
    %div3A = arith.constant 1.000000e+04 : f32
    %div3A_13 = vector.broadcast %div3A : f32 to vector<1x256xf32>
    %div3A_14 = arith.divf %broadcast_in_dim3A, %div3A_13 : vector<1x256xf32>
    %sub3A = vector.broadcast %div3A_14 : vector<1x256xf32> to vector<10000x256xf32>
    %sub3A_15 = arith.subf %dot_general3A_11, %sub3A : vector<10000x256xf32>
    %mul3A = arith.mulf %sub3A_15, %sub3A_15 : vector<10000x256xf32>
    %reduce_sum3A_16 = arith.constant dense<0.000000e+00> : vector<256xf32>
    %reduce_sum3A_17 = vector.multi_reduction <add>, %mul3A, %reduce_sum3A_16 [0] : vector<10000x256xf32> to vector<256xf32>
    %broadcast_in_dim3A_18 = vector.shape_cast %reduce_sum3A_17 : vector<256xf32> to vector<1x256xf32>
    %div3A_19 = arith.constant 1.000000e+04 : f32
    %div3A_20 = vector.broadcast %div3A_19 : f32 to vector<1x256xf32>
    %div3A_21 = arith.divf %broadcast_in_dim3A_18, %div3A_20 : vector<1x256xf32>
    %get3A_22 = arith.constant 0 : index
    %get3A_23 = arith.constant 0 : index
    %get3A_24 = vector.load %arg5[%get3A_22, %get3A_23] : memref<1x256xf32, #tpu.memory_space<vmem>>, vector<1x256xf32>
    %add3A_25 = arith.constant 9.99999974E-6 : f32
    %add3A_26 = vector.broadcast %add3A_25 : f32 to vector<1x256xf32>
    %add3A_27 = arith.addf %div3A_21, %add3A_26 : vector<1x256xf32>
    %rsqrt3A = math.rsqrt %add3A_27 : vector<1x256xf32>
    %mul3A_28 = arith.mulf %get3A_24, %rsqrt3A : vector<1x256xf32>
    %mul3A_29 = vector.broadcast %mul3A_28 : vector<1x256xf32> to vector<10000x256xf32>
    %mul3A_30 = arith.mulf %sub3A_15, %mul3A_29 : vector<10000x256xf32>
    %get3A_31 = arith.constant 0 : index
    %get3A_32 = arith.constant 0 : index
    %get3A_33 = vector.load %arg6[%get3A_31, %get3A_32] : memref<1x256xf32, #tpu.memory_space<vmem>>, vector<1x256xf32>
    %add3A_34 = vector.broadcast %get3A_33 : vector<1x256xf32> to vector<10000x256xf32>
    %add3A_35 = arith.addf %mul3A_30, %add3A_34 : vector<10000x256xf32>
    %max3A = arith.constant 0.000000e+00 : f32
    %max3A_36 = vector.broadcast %max3A : f32 to vector<10000x256xf32>
    %max3A_37 = arith.maximumf %add3A_35, %max3A_36 : vector<10000x256xf32>
    %get3A_38 = arith.constant 0 : index
    %get3A_39 = arith.constant 0 : index
    %get3A_40 = vector.load %arg4[%get3A_38, %get3A_39] : memref<256x128xf32, #tpu.memory_space<vmem>>, vector<256x128xf32>
    %dot_general3A_41 = arith.constant dense<0.000000e+00> : vector<10000x128xf32>
    %dot_general3A_42 = tpu.matmul %max3A_37, %get3A_40, %dot_general3A_41 {dimension_numbers = #tpu.dot_dimension_numbers<[1], [0], [0], [1], [0, 0, 1, 1], [], []>, transpose_lhs_hint = false} : vector<10000x256xf32>, vector<256x128xf32>, vector<10000x128xf32> -> vector<10000x128xf32>
    %reduce_sum3A_43 = arith.constant dense<0.000000e+00> : vector<128xf32>
    %reduce_sum3A_44 = vector.multi_reduction <add>, %dot_general3A_42, %reduce_sum3A_43 [0] : vector<10000x128xf32> to vector<128xf32>
    %broadcast_in_dim3A_45 = vector.shape_cast %reduce_sum3A_44 : vector<128xf32> to vector<1x128xf32>
    %div3A_46 = arith.constant 1.000000e+04 : f32
    %div3A_47 = vector.broadcast %div3A_46 : f32 to vector<1x128xf32>
    %div3A_48 = arith.divf %broadcast_in_dim3A_45, %div3A_47 : vector<1x128xf32>
    %sub3A_49 = vector.broadcast %div3A_48 : vector<1x128xf32> to vector<10000x128xf32>
    %sub3A_50 = arith.subf %dot_general3A_42, %sub3A_49 : vector<10000x128xf32>
    %mul3A_51 = arith.mulf %sub3A_50, %sub3A_50 : vector<10000x128xf32>
    %reduce_sum3A_52 = arith.constant dense<0.000000e+00> : vector<128xf32>
    %reduce_sum3A_53 = vector.multi_reduction <add>, %mul3A_51, %reduce_sum3A_52 [0] : vector<10000x128xf32> to vector<128xf32>
    %broadcast_in_dim3A_54 = vector.shape_cast %reduce_sum3A_53 : vector<128xf32> to vector<1x128xf32>
    %div3A_55 = arith.constant 1.000000e+04 : f32
    %div3A_56 = vector.broadcast %div3A_55 : f32 to vector<1x128xf32>
    %div3A_57 = arith.divf %broadcast_in_dim3A_54, %div3A_56 : vector<1x128xf32>
    %get3A_58 = arith.constant 0 : index
    %get3A_59 = arith.constant 0 : index
    %get3A_60 = vector.load %arg7[%get3A_58, %get3A_59] : memref<1x128xf32, #tpu.memory_space<vmem>>, vector<1x128xf32>
    %add3A_61 = arith.constant 9.99999974E-6 : f32
    %add3A_62 = vector.broadcast %add3A_61 : f32 to vector<1x128xf32>
    %add3A_63 = arith.addf %div3A_57, %add3A_62 : vector<1x128xf32>
    %rsqrt3A_64 = math.rsqrt %add3A_63 : vector<1x128xf32>
    %mul3A_65 = arith.mulf %get3A_60, %rsqrt3A_64 : vector<1x128xf32>
    %mul3A_66 = vector.broadcast %mul3A_65 : vector<1x128xf32> to vector<10000x128xf32>
    %mul3A_67 = arith.mulf %sub3A_50, %mul3A_66 : vector<10000x128xf32>
    %get3A_68 = arith.constant 0 : index
    %get3A_69 = arith.constant 0 : index
    %get3A_70 = vector.load %arg8[%get3A_68, %get3A_69] : memref<1x128xf32, #tpu.memory_space<vmem>>, vector<1x128xf32>
    %add3A_71 = vector.broadcast %get3A_70 : vector<1x128xf32> to vector<10000x128xf32>
    %add3A_72 = arith.addf %mul3A_67, %add3A_71 : vector<10000x128xf32>
    %max3A_73 = arith.constant 0.000000e+00 : f32
    %max3A_74 = vector.broadcast %max3A_73 : f32 to vector<10000x128xf32>
    %max3A_75 = arith.maximumf %add3A_72, %max3A_74 : vector<10000x128xf32>
    %swap3A = arith.constant 0 : index
    %swap3A_76 = arith.constant 0 : index
    %swap3A_77 = vector.load %arg10[%swap3A, %swap3A_76] : memref<10000x128xf32, #tpu.memory_space<vmem>>, vector<10000x128xf32>
    tpu.vector_store %arg10[%swap3A, %swap3A_76], %max3A_75 {strides = array<i32>} : memref<10000x128xf32, #tpu.memory_space<vmem>>, vector<10000x128xf32>,
    %iota3A = tpu.iota {dimensions = array<i32: 0>} : vector<64x10000xi32>
    %get3A_78 = arith.constant 0 : index
    %get3A_79 = arith.constant 0 : index
    %get3A_80 = vector.load %arg9[%get3A_78, %get3A_79] : memref<1x10000xi32, #tpu.memory_space<vmem>>, vector<1x10000xi32>
    %eq3A = vector.broadcast %get3A_80 : vector<1x10000xi32> to vector<64x10000xi32>
    %eq3A_81 = arith.cmpi eq, %iota3A, %eq3A : vector<64x10000xi32>
    %convert_element_type3A = arith.extui %eq3A_81 : vector<64x10000xi1> to vector<64x10000xi32>
    %convert_element_type3A_82 = arith.sitofp %convert_element_type3A : vector<64x10000xi32> to vector<64x10000xf32>
    %dot_general3A_83 = arith.constant dense<0.000000e+00> : vector<64x128xf32>
    %dot_general3A_84 = tpu.matmul %convert_element_type3A_82, %max3A_75, %dot_general3A_83 {dimension_numbers = #tpu.dot_dimension_numbers<[1], [0], [0], [1], [0, 0, 1, 1], [], []>, transpose_lhs_hint = false} : vector<64x10000xf32>, vector<10000x128xf32>, vector<64x128xf32> -> vector<64x128xf32>
    %swap3A_85 = arith.constant 0 : index
    %swap3A_86 = arith.constant 0 : index
    %swap3A_87 = vector.load %arg11[%swap3A_85, %swap3A_86] : memref<64x128xf32, #tpu.memory_space<vmem>>, vector<64x128xf32>
    tpu.vector_store %arg11[%swap3A_85, %swap3A_86], %dot_general3A_84 {strides = array<i32>} : memref<64x128xf32, #tpu.memory_space<vmem>>, vector<64x128xf32>,
    return
  }
}

</mosaic_0001>

<sc_bundles>
// kernel: kernel.6.cloned.1.call-start
scs
__scs_entry_jumppad:
0x0: {  	(pc) =	sbr.rel $0x88, $3  }
0x1: {  	(tag) =	ssettag $0x0;
	lr =	simm.s32 $0x1  }
0x2: {  	[smem:$0x3F92] =	sst lr;
	_ =	strace $0xD0000000  }
0x3: {  	_ = 	snop  }
0x4: {  	_ = 	snop  }
0x5: {  	_ = 	snop  }
0x6: {  	_ = 	snop  }
0x7: {  	_ = 	snop  }
__scs_overlays_trampoline_lowered:
0x8: {  	[smem:$0x3FA1] =	sst s0  }
0x9: {  	[smem:$0x3FA2] =	sst s1  }
0xa: {  	[smem:$0x3FA3] =	sst s2  }
0xb: {  	[smem:$0x3FA4] =	sst s3  }
0xc: {  	[smem:$0x3FA5] =	sst s4  }
0xd: {  	[smem:$0x3FA6] =	sst s5  }
0xe: {  	[smem:$0x3FA7] =	sst s6  }
0xf: {  	[smem:$0x3FA8] =	sst s7  }
0x10: {  	[smem:$0x3FA9] =	sst s8  }
0x11: {  	[smem:$0x3FAA] =	sst s9;
	s0 =	simm.s32 @!p0 $0x0  }
0x12: {  	s1 =	sld [smem:$0x3F90];
	s0 =	simm.s32 @p0 $0x1  }
0x13: {  	[smem:$0x3FAB] =	sst s0;
	s0 =	simm.s32 @!p1 $0x0  }
0x14: {  	s2 =	sld [smem:$0x3F8F];
	s0 =	simm.s32 @p1 $0x1  }
0x15: {  	[smem:$0x3FAC] =	sst s0;
	s0 =	simm.s32 @!p2 $0x0  }
0x16: {  	s3 =	sld [smem:$0x3FDB];
	s0 =	simm.s32 @p2 $0x1  }
0x17: {  	s4 =	simm.s32 $0x1BF5;
	[smem:$0x3FAE] =	sst s0  }
0x18: {  	s0 =	sld [smem:$0x3F91];
	_ =	swait.ge [sflag:s4], $0x0  }
0x19: {  	s7 =	sld [smem:$0x3F92]  }
0x1a: {  	s8 =	sadd.s32 $0xFFFFE003, lr  }
0x1b: {  	s9 =	sadd.s32 $0xFFFFFEF7, lr;
	s5 =	simm.s32 $0xFFFFFFFF;
	p2 =	slt.u32 s8, $0xFFFFF086  }
0x1c: {  	p1 =	slt.u32 s9, $0xF7A;
	s5 =	simm.s32 @!p2 $0x0  }
0x1d: {  	s5 =	simm.s32 @p1 $0x1;
	p0 =	seq.s32 s7, s2  }
0x1e: {  	s7 =	smul.u32 @!p0 $0xF7A, s2;
	p2 =	seq.s32 @!p0 s5, $0x0  }
0x1f: {  	s9 =	smul.u32 $0xF7A, s1;
	s8 =	simm.s32 @!p0 $0x1BF5;
	p2 =	por !p2, p0  }
0x20: {  	[sflag:s8] =	ssyncset.s32 @!p0 $0xFFFFF086;
	s6 =	sadd.s32 @!p0 s3, s7;
	s7 =	simm.s32 @!p0 $0x108  }
0x21: {  	s3 =	sadd.s32 s3, s9;
	s6 =	sadd.s32 @!p0 $0x88, s6;
	s7 =	simm.s32 @p2 $0x1082  }
0x22: {  	[simem:s7], [sflag:s8] =	dma.local @!p0 [hbm:s6], $0xF7A  }
0x23: {  	s9 =	sor.u32 $0xD0000000, s2;
	s6 =	simm.s32 $0x108;
	_ =	swait.ge @!p0 [sflag:s8], $0x0  }
0x24: {  	s3 =	sadd.s32 $0x88, s3;
	s6 =	simm.s32 @!p1 $0x1082;
	[sflag:s4] =	ssyncset.s32 $0xFFFFF086  }
0x25: {  	[simem:s6], [sflag:s4] =	dma.local [hbm:s3], $0xF7A  }
0x26: {  	[smem:$0x3F92] =	sst s1;
	(tag) =	ssettag s2;
	_ =	strace s9  }
0x27: {  	s1 =	sld [smem:$0x3FA2]  }
0x28: {  	s2 =	sld [smem:$0x3FA3]  }
0x29: {  	s4 =	sld [smem:$0x3FA5]  }
0x2a: {  	p0 =	seq.s32 s5, $0x0;
	s5 =	sld [smem:$0x3FA6]  }
0x2b: {  	s6 =	sld [smem:$0x3FA7]  }
0x2c: {  	s7 =	sld [smem:$0x3FA8]  }
0x2d: {  	s3 =	simm.s32 $0x108;
	s8 =	sld [smem:$0x3FA9]  }
0x2e: {  	s3 =	simm.s32 @!p0 $0x1082;
	s9 =	sld [smem:$0x3FAA]  }
0x2f: {  	lr =	sadd.s32 s0, s3;
	s0 =	sld [smem:$0x3FA1]  }
0x30: {  	s3 =	sld [smem:$0x3FA4]  }
0x31: {  	[smem:$0x3FAD] =	sst s10  }
0x32: {  	s10 =	sld [smem:$0x3FAB];
	_ =	sdelay $0x3  }
0x33: {  	p0 =	seq.s32 s10, $0x1;
	s10 =	sld [smem:$0x3FAD];
	_ =	sdelay $0x3  }
0x34: {  	[smem:$0x3FAD] =	sst s10  }
0x35: {  	s10 =	sld [smem:$0x3FAC];
	_ =	sdelay $0x3  }
0x36: {  	p1 =	seq.s32 s10, $0x1;
	s10 =	sld [smem:$0x3FAD];
	_ =	sdelay $0x3  }
0x37: {  	[smem:$0x3FAD] =	sst s10  }
0x38: {  	s10 =	sld [smem:$0x3FAE]  }
0x39: {  	_ = 	snop;
	(pc) =	sbr.ind lr, $3  }
0x3a: {  	_ = 	snop  }
0x3b: {  	_ = 	snop  }
0x3c: {  	p2 =	seq.s32 s10, $0x1;
	s10 =	sld [smem:$0x3FAD]  }
0x3d: {  	_ =	shalt  }
0x3e: {  	_ =	shalt  }
0x3f: {  	_ =	shalt  }
0x40: {  	_ =	shalt  }
0x41: {  	_ =	shalt  }
0x42: {  	_ =	shalt  }
0x43: {  	_ =	shalt  }
0x44: {  	_ =	shalt  }
0x45: {  	_ =	shalt  }
0x46: {  	_ =	shalt  }
0x47: {  	_ =	shalt  }
0x48: {  	_ =	shalt  }
0x49: {  	_ =	shalt  }
0x4a: {  	_ =	shalt  }
0x4b: {  	_ =	shalt  }
0x4c: {  	_ =	shalt  }
0x4d: {  	_ =	shalt  }
0x4e: {  	_ =	shalt  }
0x4f: {  	_ =	shalt  }
0x50: {  	_ =	shalt  }
0x51: {  	_ =	shalt  }
0x52: {  	_ =	shalt  }
0x53: {  	_ =	shalt  }
0x54: {  	_ =	shalt  }
0x55: {  	_ =	shalt  }
0x56: {  	_ =	shalt  }
0x57: {  	_ =	shalt  }
0x58: {  	_ =	shalt  }
0x59: {  	_ =	shalt  }
0x5a: {  	_ =	shalt  }
0x5b: {  	_ =	shalt  }
0x5c: {  	_ =	shalt  }
0x5d: {  	_ =	shalt  }
0x5e: {  	_ =	shalt  }
0x5f: {  	_ =	shalt  }
0x60: {  	_ =	shalt  }
0x61: {  	_ =	shalt  }
0x62: {  	_ =	shalt  }
0x63: {  	_ =	shalt  }
0x64: {  	_ =	shalt  }
0x65: {  	_ =	shalt  }
0x66: {  	_ =	shalt  }
0x67: {  	_ =	shalt  }
0x68: {  	_ =	shalt  }
0x69: {  	_ =	shalt  }
0x6a: {  	_ =	shalt  }
0x6b: {  	_ =	shalt  }
0x6c: {  	_ =	shalt  }
0x6d: {  	_ =	shalt  }
0x6e: {  	_ =	shalt  }
0x6f: {  	_ =	shalt  }
0x70: {  	_ =	shalt  }
0x71: {  	_ =	shalt  }
0x72: {  	_ =	shalt  }
0x73: {  	_ =	shalt  }
0x74: {  	_ =	shalt  }
0x75: {  	_ =	shalt  }
0x76: {  	_ =	shalt  }
0x77: {  	_ =	shalt  }
0x78: {  	_ =	shalt  }
0x79: {  	_ =	shalt  }
0x7a: {  	_ =	shalt  }
0x7b: {  	_ =	shalt  }
0x7c: {  	_ =	shalt  }
0x7d: {  	_ =	shalt  }
0x7e: {  	_ =	shalt  }
0x7f: {  	_ =	shalt  }
0x80: {  	_ =	shalt  }
0x81: {  	_ =	shalt  }
0x82: {  	_ =	shalt  }
0x83: {  	_ =	shalt  }
0x84: {  	_ =	shalt  }
0x85: {  	_ =	shalt  }
0x86: {  	_ =	shalt  }
0x87: {  	_ =	shalt  }
.Lfunc_end0:
.L_simem_size_0:
called_computation_lowered:
.L_overlay_start_0:
0x88: {  	s2 =	sld [smem:$0x3FD9]  }
0x89: {  	s3 =	sld [smem:$0x3FFE];
	_ =	sdelay $0x1  }
0x8a: {  	s1 =	srdreg.scid  }
0x8b: {  	s0 =	sand.u32 $0x1, s1  }
0x8c: {  	s14 =	sshll.u32 s0, $0xA;
	s2 =	sadd.s32 s3, s2  }
0x8d: {  	s2 =	sadd.s32 s2, s14  }
0x8e: {  	[smem:$0x3FB9] =	sst s2  }
0x8f: {  	_ = 	snop  }
0x90: {  	s2 =	sld [smem:$0x3FD0];
	_ =	sdelay $0x2  }
0x91: {  	s4 =	simm.s32 $0xA;
	s5 =	simm.s32 $0x10;
	s15 =	sld [smem:$0x3FC9]  }
0x92: {  	[smem:s5], [sflag:s4] =	dma.local [hbm:s2], $0x1  }
0x93: {  	_ =	swait.eq [sflag:s4], $0x1  }
0x94: {  	[sflag:s4] =	ssyncset.done $0x0  }
0x95: {  	[sflag:s4] =	ssyncadd.s32 $0xFFFFFFFF  }
0x96: {  	s16 =	sld [smem:$0x10];
	(tm) =	ssettm $0x1  }
0x97: {  	s17 =	sld [smem:$0x3FFB];
	_ =	sdelay $0x3  }
0x98: {  	_ =	strace s17  }
0x99: {  	s4 =	sld [smem:$0x3FFC];
	_ =	sdelay $0x3  }
0x9a: {  	_ =	strace s4  }
0x9b: {  	s4 =	sld [smem:$0x3FFD];
	_ =	sdelay $0x3  }
0x9c: {  	_ =	strace s4  }
0x9d: {  	_ =	strace $0x8FFFFFFF  }
0x9e: {  	s18 =	sld [smem:$0x3FDB];
	_ =	sdelay $0x1  }
0x9f: {  	s19 =	simm.s32 $_scs_section_size  }
0xa0: {  	s6 =	simm.s32 $_size__tile_overlayer_lowered;
	s7 =	simm.s32 $_tile_overlayer_lowered  }
0xa1: {  	s22 =	simm.s32 $0x1BFF;
	s21 =	sshll.u32 s7, $0x1;
	s4 =	sadd.s32 s19, s18  }
0xa2: {  	s8 =	simm.s32 $0x0;
	s20 =	sshll.u32 s6, $0x1;
	s6 =	sadd.s32 s21, s4  }
0xa3: {  	[timem:s8], [sflag:s22] =	dma.local [hbm:s6], s20  }
0xa4: {  	_ =	swait.ge [sflag:s22], s20  }
0xa5: {  	s5 =	ssub.s32 $0x0, s20;
	[sflag:s22] =	ssyncset.done $0x0  }
0xa6: {  	[sflag:s22] =	ssyncadd.s32 s5;
	_ =	sdelay $0x1  }
0xa7: {  	s23 =	simm.s32 $0x1B8B  }
0xa8: {  	_ =	swait.ge [sflag:s23], $0x1  }
0xa9: {  	[sflag:s23] =	ssyncset.done $0x0  }
0xaa: {  	s25 =	simm.s32 $0x1B8E;
	s24 =	sld [smem:$0x3FFE];
	[sflag:s23] =	ssyncadd.s32 $0xFFFFFFFF  }
0xab: {  	s26 =	simm.s32 $execute0_lowered;
	[smem:$0x3FD2] =	sst s25  }
0xac: {  	s6 =	sshll.u32 s26, $0x1;
	_ =	strace $0x80000046;
	[dreg:$0x1] =	wrdreg $0xFFFFFFFF  }
0xad: {  	s28 =	simm.s32 $_size_execute0_lowered;
	s4 =	sadd.s32 s4, s6;
	[dreg:$0x0] =	wrdreg $0x0  }
0xae: {  	s6 =	sshll.u32 s28, $0x1;
	[dreg:$0x2] =	wrdreg s4  }
0xaf: {  	[dreg:$0x3] =	wrdreg s6  }
0xb0: {  	[dreg:$0x4] =	wrdreg $0xC0  }
0xb1: {  	_ =	task [dreg:s8], $0x5FFFF  }
0xb2: {  	[dreg:$0x1] =	wrdreg $0xFFFFFFFF  }
0xb3: {  	[dreg:$0x0] =	wrdreg $0x60  }
0xb4: {  	[dreg:$0x2] =	wrdreg s15  }
0xb5: {  	[dreg:$0x3] =	wrdreg s16  }
0xb6: {  	[dreg:$0x4] =	wrdreg s24  }
0xb7: {  	[dreg:$0x5] =	wrdreg $0xCE400  }
0xb8: {  	[dreg:$0x6] =	wrdreg $0x9  }
0xb9: {  	_ =	task.clear_ibuf [dreg:s8], $0x7FFFF;
	_ =	strace $0x90000046  }
0xba: {  	s29 =	simm.s32 $0x9;
	_ =	strace $0x80000048  }
0xbb: {  	_ =	swait.ge [sflag:s29], $0x1  }
0xbc: {  	[sflag:s29] =	ssyncadd.s32 $0xFFFFFFFF  }
0xbd: {  	_ =	strace $0x90000048  }
0xbe: {  	_ =	sfence  }
0xbf: {  	s30 =	sld [smem:$0x0];
	_ =	sdelay $0x2  }
0xc0: {  	s31 =	sshll.u32 s1, $0xD;
	s1 =	sshrl.u32 s1, $0x2  }
0xc1: {  	s3 =	sand.u32 $0x4000, s31;
	s1 =	sadd.s32 s1, s30  }
0xc2: {  	s0 =	sor.u32 s3, s0;
	s1 =	sshll.u32 s1, $0x11  }
0xc3: {  	s0 =	sor.u32 s1, s0  }
0xc4: {  	s0 =	sadd.s32 $0x8F2B, s0  }
0xc5: {  	[sflag:s0] =	ssyncadd.remote.s32 $0x1  }
0xc6: {  	_ =	sfence.sel $0xFFFF  }
0xc7: {  	[dreg:$0x0] =	wrdreg $0xFFFFFFFF;
	(pc) =	sbr.abs _section_cstart, $3  }
0xc8: {  	[dreg:$0x1] =	wrdreg $0xFFFFFFFF  }
0xc9: {  	_ =	task.clear_ibuf [dreg:s8], $0x2FFFF;
	_ =	strace $0x9FFFFFFF  }
0xca: {  	(tm) =	ssettm $0x7FFFFFFF  }
0xcb: {  	_ =	shalt  }
tec
execute0_lowered:
.L_overlay_start_1:
0x0: {  	(tag) =	ssettag $0x1  }
0x1: {  	s1 =	rddreg [dreg:$0x0]  }
0x2: {  	s10 =	rddreg [dreg:$0x1]  }
0x3: {  	s5 =	rddreg [dreg:$0x2]  }
0x4: {  	s3 =	rddreg [dreg:$0x3]  }
0x5: {  	s0 =	rddreg [dreg:$0x4]  }
0x6: {  	s2 =	stileid.u32;
	s7 =	srdreg.scid  }
0x7: {  	s4 =	simm.s32 $0x0;
	s16 =	simm.s32 $0x320;
	s17 =	simm.s32 $0x6A40  }
0x8: {  	s18 =	simm.s32 $0x1;
	s19 =	simm.s32 $0x2;
	s6 =	smul.u32 $0xA000, s2  }
0x9: {  	s20 =	simm.s32 $0x4B0;
	s21 =	simm.s32 $0x0;
	s8 =	smul.u32 $0x1400, s2  }
0xa: {  	s7 =	sand.u32 $0x1, s7;
	[smem:$0x7FF] =	sst s4;
	s15 =	smul.u32 $0x1388, s2  }
0xb: {  	s26 =	sshll.u32 s2, $0x6;
	s11 =	smul.u32 $0x14000, s7;
	_ =	strace $0x80000047  }
0xc: {  	s22 =	ssub.s32 $0x2, s7;
	s12 =	sshll.u32 s7, $0x4;
	s29 =	smul.u32 $0x13880, s7  }
0xd: {  	s9 =	sshrl.u32 s6, $0x3;
	s23 =	sshrl.u32 s22, $0x1;
	s24 =	sor.u32 s2, s12  }
0xe: {  	s25 =	sadd.s32 s6, s3;
	s6 =	sor.u32 $0x1C03, s26;
	s9 =	sadd.s32 s9, s5  }
0xf: {  	s8 =	sadd.s32 s8, s11;
	s11 =	ssub.s32 s22, s23;
	s14 =	smul.u32 $0x9C40, s24  }
0x10: {  	s31 =	sadd.s32 s29, s10;
	s12 =	sshrl.u32 s25, $0x3;
	s13 =	sadd.s32 s8, s5  }
0x11: {  	s5 =	sadd.s32 $0x2E00, s9;
	s8 =	smul.u32 $0x1388, s24;
	s28 =	sshrl.u32 s14, $0x3  }
0x12: {  	s9 =	sadd.s32 $0x16E00, s13;
	s13 =	simm.s32 $0x3;
	s14 =	simm.s32 $0x190  }
0x13: {  	s7 =	sadd.s32 s10, s8;
	s30 =	sadd.s32 s10, s28;
	s10 =	smax.u32 s11, $0x1  }
0x14: {  	s11 =	sadd.s32 s15, s31;
	s15 =	simm.s32 $0x640;
	s8 =	sadd.s32 $0x64, s30  }
.LBB2_1:
0x15: {  	[spmem:s12], [sflag:s6] =	dma.local [hbm:s5], $0x1400  }
0x16: {  	_ =	swait.ge [sflag:s13], $0x1400  }
0x17: {  	[sflag:s13] =	ssyncset.done $0x0  }
0x18: {  	[sflag:s13] =	ssyncadd.s32 $0xFFFFEC00  }
0x19: {  	[bflag:$0x0] =	sbarrier.arrive $0xFFFF  }
0x1a: {  	[tilespmem:s4], [sflag:$0x3] =	stream.linear.gather [hbm4b:s7+s4], $0x320, $0x38;
	[tilespmem:$0x16E40] =	vst v63  }
0x1b: {  	_ =	swait.ge [sflag:s13], $0x320  }
0x1c: {  	[sflag:s13] =	ssyncset.done $0x0  }
0x1d: {  	[sflag:s13] =	ssyncadd.s32 $0xFFFFFCE0  }
0x1e: {  	[tilespmem:s15], [sflag:$0x1] =	stream.indirect.gather [hbm4b:s1+s14], $0x40, s4, s14, $0xb8;
	[tilespmem:$0x16E40] =	vst v63  }
0x1f: {  	_ = 	snop  }
0x20: {  	[tilespmem:s16], [sflag:$0x3] =	stream.linear.gather [hbm4b:s8+s4], $0x320, $0x38;
	[tilespmem:$0x16E40] =	vst v63  }
0x21: {  	_ =	swait.ge [sflag:s13], $0x320  }
0x22: {  	[sflag:s13] =	ssyncset.done $0x0  }
0x23: {  	[sflag:s13] =	ssyncadd.s32 $0xFFFFFCE0  }
0x24: {  	[tilespmem:s17], [sflag:$0x2] =	stream.indirect.gather [hbm4b:s1+s14], $0x40, s16, s14, $0xb8;
	[tilespmem:$0x16E40] =	vst v63  }
0x25: {  	_ =	swait.ge [sflag:s18], $0x6400  }
0x26: {  	[sflag:s18] =	ssyncset.done $0x0  }
0x27: {  	[sflag:s18] =	ssyncadd.s32 $0xFFFF9C00  }
0x28: {  	[spmem:s3] =	stream.indirect.scatter.add.f32 [tilespmem:s15], [sflag:$0x3], $0x40, s14, s14, $0xb8;
	[tilespmem:$0x16E40] =	vst v63  }
0x29: {  	_ =	swait.ge [sflag:s13], $0x6400  }
0x2a: {  	s22 =	sadd.s32 $0xFFFFED40, s11;
	[sflag:s13] =	ssyncset.done $0x0  }
0x2b: {  	s23 =	sadd.s32 $0x1388, s22;
	[sflag:s13] =	ssyncadd.s32 $0xFFFF9C00  }
0x2c: {  	[tilespmem:s4], [sflag:$0x3] =	stream.linear.gather [hbm4b:s23+s4], $0x320, $0x38;
	[tilespmem:$0x16E40] =	vst v63  }
0x2d: {  	_ =	swait.ge [sflag:s13], $0x320  }
0x2e: {  	[sflag:s13] =	ssyncset.done $0x0  }
0x2f: {  	[sflag:s13] =	ssyncadd.s32 $0xFFFFFCE0  }
0x30: {  	[tilespmem:s15], [sflag:$0x1] =	stream.indirect.gather [hbm4b:s1+s14], $0x40, s4, s14, $0xb8;
	[tilespmem:$0x16E40] =	vst v63  }
0x31: {  	_ =	swait.ge [sflag:s19], $0x6400  }
0x32: {  	[sflag:s19] =	ssyncset.done $0x0  }
0x33: {  	[sflag:s19] =	ssyncadd.s32 $0xFFFF9C00  }
0x34: {  	[spmem:s3] =	stream.indirect.scatter.add.f32 [tilespmem:s17], [sflag:$0x3], $0x40, s20, s14, $0xb8;
	[tilespmem:$0x16E40] =	vst v63  }
0x35: {  	_ =	swait.ge [sflag:s13], $0x6400  }
0x36: {  	[sflag:s13] =	ssyncset.done $0x0  }
0x37: {  	s22 =	sadd.s32 $0x13EC, s22;
	[sflag:s13] =	ssyncadd.s32 $0xFFFF9C00  }
0x38: {  	[tilespmem:s16], [sflag:$0x3] =	stream.linear.gather [hbm4b:s22+s4], $0x320, $0x38;
	[tilespmem:$0x16E40] =	vst v63  }
0x39: {  	_ =	swait.ge [sflag:s13], $0x320  }
0x3a: {  	[sflag:s13] =	ssyncset.done $0x0  }
0x3b: {  	s22 =	simm.s32 $0xFFFFEE08;
	[sflag:s13] =	ssyncadd.s32 $0xFFFFFCE0  }
.LBB2_2:
0x3c: {  	[tilespmem:s17], [sflag:$0x2] =	stream.indirect.gather [hbm4b:s1+s14], $0x40, s16, s14, $0xb8;
	[tilespmem:$0x16E40] =	vst v63  }
0x3d: {  	s23 =	smov.u32 s22  }
0x3e: {  	p0 =	sne.s32 s22, $0xFFFFFF38;
	s22 =	sadd.s32 $0xC8, s22;
	_ =	swait.ge [sflag:s18], $0x6400  }
0x3f: {  	[sflag:s18] =	ssyncset.done $0x0  }
0x40: {  	[sflag:s18] =	ssyncadd.s32 $0xFFFF9C00  }
0x41: {  	[spmem:s3] =	stream.indirect.scatter.add.f32 [tilespmem:s15], [sflag:$0x3], $0x40, s14, s14, $0xb8;
	[tilespmem:$0x16E40] =	vst v63  }
0x42: {  	_ =	swait.ge [sflag:s13], $0x6400  }
0x43: {  	s23 =	sadd.s32 s23, s11;
	[sflag:s13] =	ssyncset.done $0x0  }
0x44: {  	s24 =	sadd.s32 $0x1388, s23;
	[sflag:s13] =	ssyncadd.s32 $0xFFFF9C00  }
0x45: {  	[tilespmem:s4], [sflag:$0x3] =	stream.linear.gather [hbm4b:s24+s4], $0x320, $0x38;
	[tilespmem:$0x16E40] =	vst v63  }
0x46: {  	_ =	swait.ge [sflag:s13], $0x320  }
0x47: {  	[sflag:s13] =	ssyncset.done $0x0  }
0x48: {  	[sflag:s13] =	ssyncadd.s32 $0xFFFFFCE0  }
0x49: {  	[tilespmem:s15], [sflag:$0x1] =	stream.indirect.gather [hbm4b:s1+s14], $0x40, s4, s14, $0xb8;
	[tilespmem:$0x16E40] =	vst v63  }
0x4a: {  	_ =	swait.ge [sflag:s19], $0x6400  }
0x4b: {  	[sflag:s19] =	ssyncset.done $0x0  }
0x4c: {  	[sflag:s19] =	ssyncadd.s32 $0xFFFF9C00  }
0x4d: {  	[spmem:s3] =	stream.indirect.scatter.add.f32 [tilespmem:s17], [sflag:$0x3], $0x40, s20, s14, $0xb8;
	[tilespmem:$0x16E40] =	vst v63  }
0x4e: {  	_ =	swait.ge [sflag:s13], $0x6400  }
0x4f: {  	[sflag:s13] =	ssyncset.done $0x0  }
.Ltmp0:
0x50: {  	s23 =	sadd.s32 $0x13EC, s23;
	[sflag:s13] =	ssyncadd.s32 $0xFFFF9C00;
	(pc) =	sbr.rel @p0 .LBB2_2-.Ltmp0, $4  }
0x51: {  	[tilespmem:s16], [sflag:$0x3] =	stream.linear.gather [hbm4b:s23+s4], $0x320, $0x38;
	[tilespmem:$0x16E40] =	vst v63  }
0x52: {  	_ =	swait.ge [sflag:s13], $0x320  }
0x53: {  	[sflag:s13] =	ssyncset.done $0x0  }
0x54: {  	[sflag:s13] =	ssyncadd.s32 $0xFFFFFCE0  }
0x55: {  	[tilespmem:s17], [sflag:$0x2] =	stream.indirect.gather [hbm4b:s1+s14], $0x40, s16, s14, $0xb8;
	[tilespmem:$0x16E40] =	vst v63  }
0x56: {  	_ =	swait.ge [sflag:s18], $0x6400  }
0x57: {  	[sflag:s18] =	ssyncset.done $0x0  }
0x58: {  	[sflag:s18] =	ssyncadd.s32 $0xFFFF9C00  }
0x59: {  	[spmem:s3] =	stream.indirect.scatter.add.f32 [tilespmem:s15], [sflag:$0x3], $0x40, s14, s14, $0xb8;
	[tilespmem:$0x16E40] =	vst v63  }
0x5a: {  	_ =	swait.ge [sflag:s13], $0x6400  }
0x5b: {  	[sflag:s13] =	ssyncset.done $0x0  }
0x5c: {  	[sflag:s13] =	ssyncadd.s32 $0xFFFF9C00  }
0x5d: {  	_ =	swait.ge [sflag:s19], $0x6400  }
0x5e: {  	[sflag:s19] =	ssyncset.done $0x0  }
0x5f: {  	[sflag:s19] =	ssyncadd.s32 $0xFFFF9C00  }
0x60: {  	[spmem:s3] =	stream.indirect.scatter.add.f32 [tilespmem:s17], [sflag:$0x3], $0x40, s20, s14, $0xb8;
	[tilespmem:$0x16E40] =	vst v63  }
0x61: {  	_ =	swait.ge [sflag:s13], $0x6400  }
0x62: {  	s21 =	sadd.s32 $0x1, s21;
	[sflag:s13] =	ssyncset.done $0x0  }
0x63: {  	p0 =	sne.s32 s21, s10;
	[sflag:s13] =	ssyncadd.s32 $0xFFFF9C00  }
.Ltmp1:
0x64: {  	[bflag:$0x0] =	sbarrier.arrive $0xFFFF;
	(pc) =	sbr.rel @p0 .LBB2_1-.Ltmp1, $4  }
0x65: {  	[hbm:s9], [sflag:s6] =	dma.local [spmem:s12], $0x1400  }
0x66: {  	_ =	swait.ge [sflag:s13], $0x1400  }
0x67: {  	[sflag:s13] =	ssyncset.done $0x0  }
0x68: {  	[sflag:s13] =	ssyncadd.s32 $0xFFFFEC00  }
0x69: {  	_ =	sfence.sel $0x180000  }
0x6a: {  	[bflag:$0x0] =	sbarrier.arrive $0xFFFF  }
0x6b: {  	p0 =	sne.s32 s2, $0x0;
	_ =	strace $0x90000047  }
0x6c: {  	s0 =	sadd.s32 @!p0 $0x100000, s0;
	[bflag:$0x2] =	sbarrier.arrive $0xFFFF  }
0x6d: {  	[sflag:s0] =	ssyncadd.tile.s32 @!p0 $0x1;
	_ =	shalt  }
.Lfunc_end2:
_tile_overlayer_lowered:
.L_overlay_start_2:
0x6e: {  	(tag) =	ssettag $0x2  }
0x6f: {  	s0 =	rddreg [dreg:$0x0];
	s2 =	stileid.u32  }
0x70: {  	s1 =	rddreg [dreg:$0x1];
	p0 =	sne.s32 s2, $0x0  }
0x71: {  	s3 =	rddreg [dreg:$0x2];
	[bflag:$0x3] =	sbarrier.arrive $0xFFFF;
	s2 =	simm.s32 @!p0 $0x1C03  }
0x72: {  	[timem:s3], [sflag:s2] =	dma.local @!p0 [hbm:s0], s1  }
0x73: {  	s0 =	simm.s32 @!p0 $0x3  }
0x74: {  	_ =	swait.ge @!p0 [sflag:s0], s1  }
0x75: {  	s1 =	ssub.s32 @!p0 $0x0, s1;
	[sflag:s0] =	ssyncset.done @!p0 $0x0  }
0x76: {  	[sflag:s0] =	ssyncadd.s32 @!p0 s1  }
0x77: {  	[bflag:$0x3] =	sbarrier.arrive $0xFFFF  }
0x78: {  	_ =	shalt  }

// kernel: kernel.9.cloned.1.call-start
scs
__scs_entry_jumppad:
0x0: {  	(pc) =	sbr.rel $0x88, $3  }
0x1: {  	(tag) =	ssettag $0x0;
	lr =	simm.s32 $0x1  }
0x2: {  	[smem:$0x3F92] =	sst lr;
	_ =	strace $0xD0000000  }
0x3: {  	_ = 	snop  }
0x4: {  	_ = 	snop  }
0x5: {  	_ = 	snop  }
0x6: {  	_ = 	snop  }
0x7: {  	_ = 	snop  }
__scs_overlays_trampoline_lowered:
0x8: {  	[smem:$0x3FA1] =	sst s0  }
0x9: {  	[smem:$0x3FA2] =	sst s1  }
0xa: {  	[smem:$0x3FA3] =	sst s2  }
0xb: {  	[smem:$0x3FA4] =	sst s3  }
0xc: {  	[smem:$0x3FA5] =	sst s4  }
0xd: {  	[smem:$0x3FA6] =	sst s5  }
0xe: {  	[smem:$0x3FA7] =	sst s6  }
0xf: {  	[smem:$0x3FA8] =	sst s7  }
0x10: {  	[smem:$0x3FA9] =	sst s8  }
0x11: {  	[smem:$0x3FAA] =	sst s9;
	s0 =	simm.s32 @!p0 $0x0  }
0x12: {  	s1 =	sld [smem:$0x3F90];
	s0 =	simm.s32 @p0 $0x1  }
0x13: {  	[smem:$0x3FAB] =	sst s0;
	s0 =	simm.s32 @!p1 $0x0  }
0x14: {  	s2 =	sld [smem:$0x3F8F];
	s0 =	simm.s32 @p1 $0x1  }
0x15: {  	[smem:$0x3FAC] =	sst s0;
	s0 =	simm.s32 @!p2 $0x0  }
0x16: {  	s3 =	sld [smem:$0x3FDB];
	s0 =	simm.s32 @p2 $0x1  }
0x17: {  	s4 =	simm.s32 $0x1BF5;
	[smem:$0x3FAE] =	sst s0  }
0x18: {  	s0 =	sld [smem:$0x3F91];
	_ =	swait.ge [sflag:s4], $0x0  }
0x19: {  	s7 =	sld [smem:$0x3F92]  }
0x1a: {  	s8 =	sadd.s32 $0xFFFFE003, lr  }
0x1b: {  	s9 =	sadd.s32 $0xFFFFFEF7, lr;
	s5 =	simm.s32 $0xFFFFFFFF;
	p2 =	slt.u32 s8, $0xFFFFF086  }
0x1c: {  	p1 =	slt.u32 s9, $0xF7A;
	s5 =	simm.s32 @!p2 $0x0  }
0x1d: {  	s5 =	simm.s32 @p1 $0x1;
	p0 =	seq.s32 s7, s2  }
0x1e: {  	s7 =	smul.u32 @!p0 $0xF7A, s2;
	p2 =	seq.s32 @!p0 s5, $0x0  }
0x1f: {  	s9 =	smul.u32 $0xF7A, s1;
	s8 =	simm.s32 @!p0 $0x1BF5;
	p2 =	por !p2, p0  }
0x20: {  	[sflag:s8] =	ssyncset.s32 @!p0 $0xFFFFF086;
	s6 =	sadd.s32 @!p0 s3, s7;
	s7 =	simm.s32 @!p0 $0x108  }
0x21: {  	s3 =	sadd.s32 s3, s9;
	s6 =	sadd.s32 @!p0 $0x88, s6;
	s7 =	simm.s32 @p2 $0x1082  }
0x22: {  	[simem:s7], [sflag:s8] =	dma.local @!p0 [hbm:s6], $0xF7A  }
0x23: {  	s9 =	sor.u32 $0xD0000000, s2;
	s6 =	simm.s32 $0x108;
	_ =	swait.ge @!p0 [sflag:s8], $0x0  }
0x24: {  	s3 =	sadd.s32 $0x88, s3;
	s6 =	simm.s32 @!p1 $0x1082;
	[sflag:s4] =	ssyncset.s32 $0xFFFFF086  }
0x25: {  	[simem:s6], [sflag:s4] =	dma.local [hbm:s3], $0xF7A  }
0x26: {  	[smem:$0x3F92] =	sst s1;
	(tag) =	ssettag s2;
	_ =	strace s9  }
0x27: {  	s1 =	sld [smem:$0x3FA2]  }
0x28: {  	s2 =	sld [smem:$0x3FA3]  }
0x29: {  	s4 =	sld [smem:$0x3FA5]  }
0x2a: {  	p0 =	seq.s32 s5, $0x0;
	s5 =	sld [smem:$0x3FA6]  }
0x2b: {  	s6 =	sld [smem:$0x3FA7]  }
0x2c: {  	s7 =	sld [smem:$0x3FA8]  }
0x2d: {  	s3 =	simm.s32 $0x108;
	s8 =	sld [smem:$0x3FA9]  }
0x2e: {  	s3 =	simm.s32 @!p0 $0x1082;
	s9 =	sld [smem:$0x3FAA]  }
0x2f: {  	lr =	sadd.s32 s0, s3;
	s0 =	sld [smem:$0x3FA1]  }
0x30: {  	s3 =	sld [smem:$0x3FA4]  }
0x31: {  	[smem:$0x3FAD] =	sst s10  }
0x32: {  	s10 =	sld [smem:$0x3FAB];
	_ =	sdelay $0x3  }
0x33: {  	p0 =	seq.s32 s10, $0x1;
	s10 =	sld [smem:$0x3FAD];
	_ =	sdelay $0x3  }
0x34: {  	[smem:$0x3FAD] =	sst s10  }
0x35: {  	s10 =	sld [smem:$0x3FAC];
	_ =	sdelay $0x3  }
0x36: {  	p1 =	seq.s32 s10, $0x1;
	s10 =	sld [smem:$0x3FAD];
	_ =	sdelay $0x3  }
0x37: {  	[smem:$0x3FAD] =	sst s10  }
0x38: {  	s10 =	sld [smem:$0x3FAE]  }
0x39: {  	_ = 	snop;
	(pc) =	sbr.ind lr, $3  }
0x3a: {  	_ = 	snop  }
0x3b: {  	_ = 	snop  }
0x3c: {  	p2 =	seq.s32 s10, $0x1;
	s10 =	sld [smem:$0x3FAD]  }
0x3d: {  	_ =	shalt  }
0x3e: {  	_ =	shalt  }
0x3f: {  	_ =	shalt  }
0x40: {  	_ =	shalt  }
0x41: {  	_ =	shalt  }
0x42: {  	_ =	shalt  }
0x43: {  	_ =	shalt  }
0x44: {  	_ =	shalt  }
0x45: {  	_ =	shalt  }
0x46: {  	_ =	shalt  }
0x47: {  	_ =	shalt  }
0x48: {  	_ =	shalt  }
0x49: {  	_ =	shalt  }
0x4a: {  	_ =	shalt  }
0x4b: {  	_ =	shalt  }
0x4c: {  	_ =	shalt  }
0x4d: {  	_ =	shalt  }
0x4e: {  	_ =	shalt  }
0x4f: {  	_ =	shalt  }
0x50: {  	_ =	shalt  }
0x51: {  	_ =	shalt  }
0x52: {  	_ =	shalt  }
0x53: {  	_ =	shalt  }
0x54: {  	_ =	shalt  }
0x55: {  	_ =	shalt  }
0x56: {  	_ =	shalt  }
0x57: {  	_ =	shalt  }
0x58: {  	_ =	shalt  }
0x59: {  	_ =	shalt  }
0x5a: {  	_ =	shalt  }
0x5b: {  	_ =	shalt  }
0x5c: {  	_ =	shalt  }
0x5d: {  	_ =	shalt  }
0x5e: {  	_ =	shalt  }
0x5f: {  	_ =	shalt  }
0x60: {  	_ =	shalt  }
0x61: {  	_ =	shalt  }
0x62: {  	_ =	shalt  }
0x63: {  	_ =	shalt  }
0x64: {  	_ =	shalt  }
0x65: {  	_ =	shalt  }
0x66: {  	_ =	shalt  }
0x67: {  	_ =	shalt  }
0x68: {  	_ =	shalt  }
0x69: {  	_ =	shalt  }
0x6a: {  	_ =	shalt  }
0x6b: {  	_ =	shalt  }
0x6c: {  	_ =	shalt  }
0x6d: {  	_ =	shalt  }
0x6e: {  	_ =	shalt  }
0x6f: {  	_ =	shalt  }
0x70: {  	_ =	shalt  }
0x71: {  	_ =	shalt  }
0x72: {  	_ =	shalt  }
0x73: {  	_ =	shalt  }
0x74: {  	_ =	shalt  }
0x75: {  	_ =	shalt  }
0x76: {  	_ =	shalt  }
0x77: {  	_ =	shalt  }
0x78: {  	_ =	shalt  }
0x79: {  	_ =	shalt  }
0x7a: {  	_ =	shalt  }
0x7b: {  	_ =	shalt  }
0x7c: {  	_ =	shalt  }
0x7d: {  	_ =	shalt  }
0x7e: {  	_ =	shalt  }
0x7f: {  	_ =	shalt  }
0x80: {  	_ =	shalt  }
0x81: {  	_ =	shalt  }
0x82: {  	_ =	shalt  }
0x83: {  	_ =	shalt  }
0x84: {  	_ =	shalt  }
0x85: {  	_ =	shalt  }
0x86: {  	_ =	shalt  }
0x87: {  	_ =	shalt  }
.Lfunc_end0:
.L_simem_size_0:
called_computation.1_lowered:
.L_overlay_start_0:
0x88: {  	s2 =	sld [smem:$0x3FD9]  }
0x89: {  	s3 =	sld [smem:$0x3FFE];
	_ =	sdelay $0x1  }
0x8a: {  	s1 =	srdreg.scid  }
0x8b: {  	s0 =	sand.u32 $0x1, s1  }
0x8c: {  	s14 =	sshll.u32 s0, $0xA;
	s2 =	sadd.s32 s3, s2  }
0x8d: {  	s2 =	sadd.s32 s2, s14  }
0x8e: {  	[smem:$0x3FB9] =	sst s2  }
0x8f: {  	_ = 	snop  }
0x90: {  	s2 =	sld [smem:$0x3FD0];
	_ =	sdelay $0x2  }
0x91: {  	s15 =	simm.s32 $0xA;
	s4 =	simm.s32 $0x10  }
0x92: {  	[smem:s4], [sflag:s15] =	dma.local [hbm:s2], $0x1  }
0x93: {  	_ =	swait.eq [sflag:s15], $0x1  }
0x94: {  	[sflag:s15] =	ssyncset.done $0x0  }
0x95: {  	[sflag:s15] =	ssyncadd.s32 $0xFFFFFFFF  }
0x96: {  	s16 =	sld [smem:$0x10];
	(tm) =	ssettm $0x1  }
0x97: {  	s17 =	sld [smem:$0x3FFB];
	_ =	sdelay $0x3  }
0x98: {  	_ =	strace s17  }
0x99: {  	s3 =	sld [smem:$0x3FFC];
	_ =	sdelay $0x3  }
0x9a: {  	_ =	strace s3  }
0x9b: {  	s3 =	sld [smem:$0x3FFD];
	_ =	sdelay $0x3  }
0x9c: {  	_ =	strace s3  }
0x9d: {  	_ =	strace $0x8FFFFFFF  }
0x9e: {  	s18 =	sld [smem:$0x3FDB];
	_ =	sdelay $0x1  }
0x9f: {  	s19 =	simm.s32 $_scs_section_size  }
0xa0: {  	s5 =	simm.s32 $_size__tile_overlayer_lowered;
	s6 =	simm.s32 $_tile_overlayer_lowered  }
0xa1: {  	s22 =	simm.s32 $0x1BFF;
	s21 =	sshll.u32 s6, $0x1;
	s3 =	sadd.s32 s19, s18  }
0xa2: {  	s7 =	simm.s32 $0x0;
	s20 =	sshll.u32 s5, $0x1;
	s5 =	sadd.s32 s21, s3  }
0xa3: {  	[timem:s7], [sflag:s22] =	dma.local [hbm:s5], s20  }
0xa4: {  	_ =	swait.ge [sflag:s22], s20  }
0xa5: {  	s4 =	ssub.s32 $0x0, s20;
	[sflag:s22] =	ssyncset.done $0x0  }
0xa6: {  	[sflag:s22] =	ssyncadd.s32 s4;
	_ =	sdelay $0x1  }
0xa7: {  	s23 =	simm.s32 $0x1B8B  }
0xa8: {  	_ =	swait.ge [sflag:s23], $0x1  }
0xa9: {  	[sflag:s23] =	ssyncset.done $0x0  }
0xaa: {  	s25 =	simm.s32 $0x1B8E;
	s24 =	sld [smem:$0x3FFE];
	[sflag:s23] =	ssyncadd.s32 $0xFFFFFFFF  }
0xab: {  	s26 =	simm.s32 $execute0_lowered;
	[smem:$0x3FD2] =	sst s25  }
0xac: {  	s5 =	sshll.u32 s26, $0x1;
	_ =	strace $0x80000049;
	[dreg:$0x1] =	wrdreg $0xFFFFFFFF  }
0xad: {  	s28 =	simm.s32 $_size_execute0_lowered;
	s3 =	sadd.s32 s3, s5;
	[dreg:$0x0] =	wrdreg $0x0  }
0xae: {  	s5 =	sshll.u32 s28, $0x1;
	[dreg:$0x2] =	wrdreg s3  }
0xaf: {  	[dreg:$0x3] =	wrdreg s5  }
0xb0: {  	[dreg:$0x4] =	wrdreg $0xC0  }
0xb1: {  	_ =	task [dreg:s7], $0x5FFFF  }
0xb2: {  	[dreg:$0x1] =	wrdreg $0xFFFFFFFF  }
0xb3: {  	[dreg:$0x0] =	wrdreg $0x60  }
0xb4: {  	[dreg:$0x2] =	wrdreg s24  }
0xb5: {  	[dreg:$0x3] =	wrdreg s16  }
0xb6: {  	[dreg:$0x4] =	wrdreg $0xCE400  }
0xb7: {  	[dreg:$0x5] =	wrdreg $0x9  }
0xb8: {  	_ =	task.clear_ibuf [dreg:s7], $0x6FFFF;
	_ =	strace $0x90000049  }
0xb9: {  	s29 =	simm.s32 $0x9;
	_ =	strace $0x8000004B  }
0xba: {  	_ =	swait.ge [sflag:s29], $0x1  }
0xbb: {  	[sflag:s29] =	ssyncadd.s32 $0xFFFFFFFF  }
0xbc: {  	_ =	strace $0x9000004B  }
0xbd: {  	_ =	sfence  }
0xbe: {  	s30 =	sld [smem:$0x0];
	_ =	sdelay $0x2  }
0xbf: {  	s31 =	sshll.u32 s1, $0xD;
	s1 =	sshrl.u32 s1, $0x2  }
0xc0: {  	s3 =	sand.u32 $0x4000, s31;
	s1 =	sadd.s32 s1, s30  }
0xc1: {  	s0 =	sor.u32 s3, s0;
	s1 =	sshll.u32 s1, $0x11  }
0xc2: {  	s0 =	sor.u32 s1, s0  }
0xc3: {  	s0 =	sadd.s32 $0x8F2B, s0  }
0xc4: {  	[sflag:s0] =	ssyncadd.remote.s32 $0x1  }
0xc5: {  	_ =	sfence.sel $0xFFFF  }
0xc6: {  	[dreg:$0x0] =	wrdreg $0xFFFFFFFF;
	(pc) =	sbr.abs _section_cstart, $3  }
0xc7: {  	[dreg:$0x1] =	wrdreg $0xFFFFFFFF  }
0xc8: {  	_ =	task.clear_ibuf [dreg:s7], $0x2FFFF;
	_ =	strace $0x9FFFFFFF  }
0xc9: {  	(tm) =	ssettm $0x7FFFFFFF  }
tec
execute0_lowered:
.L_overlay_start_1:
0x0: {  	(tag) =	ssettag $0x1  }
0x1: {  	s5 =	rddreg [dreg:$0x0]  }
0x2: {  	s10 =	rddreg [dreg:$0x1]  }
0x3: {  	s2 =	rddreg [dreg:$0x2]  }
0x4: {  	s0 =	rddreg [dreg:$0x3]  }
0x5: {  	s1 =	stileid.u32;
	s4 =	srdreg.scid;
	s3 =	simm.s32 $0x0  }
0x6: {  	s16 =	simm.s32 $0x320;
	s17 =	simm.s32 $0x6A40;
	s18 =	simm.s32 $0x1  }
0x7: {  	s19 =	simm.s32 $0x2;
	s20 =	simm.s32 $0x4B0;
	s6 =	smul.u32 $0xA000, s1  }
0x8: {  	s21 =	simm.s32 $0x0;
	s7 =	sand.u32 $0x1, s4;
	s8 =	smul.u32 $0x1400, s1  }
0x9: {  	[smem:$0x7FF] =	sst s3;
	s4 =	sadd.s32 $0x16E00, s5;
	s15 =	smul.u32 $0x1388, s1  }
0xa: {  	s26 =	sshll.u32 s1, $0x6;
	s11 =	smul.u32 $0x14000, s7;
	_ =	strace $0x8000004A  }
0xb: {  	s22 =	ssub.s32 $0x2, s7;
	s12 =	sshll.u32 s7, $0x4;
	s29 =	smul.u32 $0x13880, s7  }
0xc: {  	s9 =	sshrl.u32 s6, $0x3;
	s23 =	sshrl.u32 s22, $0x1;
	s24 =	sor.u32 s1, s12  }
0xd: {  	s25 =	sadd.s32 s6, s2;
	s6 =	sor.u32 $0x1C03, s26;
	s9 =	sadd.s32 s9, s5  }
0xe: {  	s8 =	sadd.s32 s8, s11;
	s11 =	ssub.s32 s22, s23;
	s14 =	smul.u32 $0x9C40, s24  }
0xf: {  	s31 =	sadd.s32 s29, s10;
	s12 =	sshrl.u32 s25, $0x3;
	s13 =	sadd.s32 s8, s5  }
0x10: {  	s5 =	sadd.s32 $0x2E00, s9;
	s8 =	smul.u32 $0x1388, s24;
	s28 =	sshrl.u32 s14, $0x3  }
0x11: {  	s9 =	sadd.s32 $0x3E000, s13;
	s13 =	simm.s32 $0x3;
	s14 =	simm.s32 $0x190  }
0x12: {  	s7 =	sadd.s32 s10, s8;
	s30 =	sadd.s32 s10, s28;
	s10 =	smax.u32 s11, $0x1  }
0x13: {  	s11 =	sadd.s32 s15, s31;
	s15 =	simm.s32 $0x640;
	s8 =	sadd.s32 $0x64, s30  }
.LBB2_1:
0x14: {  	[spmem:s12], [sflag:s6] =	dma.local [hbm:s5], $0x1400  }
0x15: {  	_ =	swait.ge [sflag:s13], $0x1400  }
0x16: {  	[sflag:s13] =	ssyncset.done $0x0  }
0x17: {  	[sflag:s13] =	ssyncadd.s32 $0xFFFFEC00  }
0x18: {  	[bflag:$0x0] =	sbarrier.arrive $0xFFFF  }
0x19: {  	[tilespmem:s3], [sflag:$0x3] =	stream.linear.gather [hbm4b:s7+s3], $0x320, $0x38;
	[tilespmem:$0x16E40] =	vst v63  }
0x1a: {  	_ =	swait.ge [sflag:s13], $0x320  }
0x1b: {  	[sflag:s13] =	ssyncset.done $0x0  }
0x1c: {  	[sflag:s13] =	ssyncadd.s32 $0xFFFFFCE0  }
0x1d: {  	[tilespmem:s15], [sflag:$0x1] =	stream.indirect.gather [hbm4b:s4+s14], $0x40, s3, s14, $0xb8;
	[tilespmem:$0x16E40] =	vst v63  }
0x1e: {  	_ = 	snop  }
0x1f: {  	[tilespmem:s16], [sflag:$0x3] =	stream.linear.gather [hbm4b:s8+s3], $0x320, $0x38;
	[tilespmem:$0x16E40] =	vst v63  }
0x20: {  	_ =	swait.ge [sflag:s13], $0x320  }
0x21: {  	[sflag:s13] =	ssyncset.done $0x0  }
0x22: {  	[sflag:s13] =	ssyncadd.s32 $0xFFFFFCE0  }
0x23: {  	[tilespmem:s17], [sflag:$0x2] =	stream.indirect.gather [hbm4b:s4+s14], $0x40, s16, s14, $0xb8;
	[tilespmem:$0x16E40] =	vst v63  }
0x24: {  	_ =	swait.ge [sflag:s18], $0x6400  }
0x25: {  	[sflag:s18] =	ssyncset.done $0x0  }
0x26: {  	[sflag:s18] =	ssyncadd.s32 $0xFFFF9C00  }
0x27: {  	[spmem:s2] =	stream.indirect.scatter.add.f32 [tilespmem:s15], [sflag:$0x3], $0x40, s14, s14, $0xb8;
	[tilespmem:$0x16E40] =	vst v63  }
0x28: {  	_ =	swait.ge [sflag:s13], $0x6400  }
0x29: {  	s22 =	sadd.s32 $0xFFFFED40, s11;
	[sflag:s13] =	ssyncset.done $0x0  }
0x2a: {  	s23 =	sadd.s32 $0x1388, s22;
	[sflag:s13] =	ssyncadd.s32 $0xFFFF9C00  }
0x2b: {  	[tilespmem:s3], [sflag:$0x3] =	stream.linear.gather [hbm4b:s23+s3], $0x320, $0x38;
	[tilespmem:$0x16E40] =	vst v63  }
0x2c: {  	_ =	swait.ge [sflag:s13], $0x320  }
0x2d: {  	[sflag:s13] =	ssyncset.done $0x0  }
0x2e: {  	[sflag:s13] =	ssyncadd.s32 $0xFFFFFCE0  }
0x2f: {  	[tilespmem:s15], [sflag:$0x1] =	stream.indirect.gather [hbm4b:s4+s14], $0x40, s3, s14, $0xb8;
	[tilespmem:$0x16E40] =	vst v63  }
0x30: {  	_ =	swait.ge [sflag:s19], $0x6400  }
0x31: {  	[sflag:s19] =	ssyncset.done $0x0  }
0x32: {  	[sflag:s19] =	ssyncadd.s32 $0xFFFF9C00  }
0x33: {  	[spmem:s2] =	stream.indirect.scatter.add.f32 [tilespmem:s17], [sflag:$0x3], $0x40, s20, s14, $0xb8;
	[tilespmem:$0x16E40] =	vst v63  }
0x34: {  	_ =	swait.ge [sflag:s13], $0x6400  }
0x35: {  	[sflag:s13] =	ssyncset.done $0x0  }
0x36: {  	s22 =	sadd.s32 $0x13EC, s22;
	[sflag:s13] =	ssyncadd.s32 $0xFFFF9C00  }
0x37: {  	[tilespmem:s16], [sflag:$0x3] =	stream.linear.gather [hbm4b:s22+s3], $0x320, $0x38;
	[tilespmem:$0x16E40] =	vst v63  }
0x38: {  	_ =	swait.ge [sflag:s13], $0x320  }
0x39: {  	[sflag:s13] =	ssyncset.done $0x0  }
0x3a: {  	s22 =	simm.s32 $0xFFFFEE08;
	[sflag:s13] =	ssyncadd.s32 $0xFFFFFCE0  }
.LBB2_2:
0x3b: {  	[tilespmem:s17], [sflag:$0x2] =	stream.indirect.gather [hbm4b:s4+s14], $0x40, s16, s14, $0xb8;
	[tilespmem:$0x16E40] =	vst v63  }
0x3c: {  	s23 =	smov.u32 s22  }
0x3d: {  	p0 =	sne.s32 s22, $0xFFFFFF38;
	s22 =	sadd.s32 $0xC8, s22;
	_ =	swait.ge [sflag:s18], $0x6400  }
0x3e: {  	[sflag:s18] =	ssyncset.done $0x0  }
0x3f: {  	[sflag:s18] =	ssyncadd.s32 $0xFFFF9C00  }
0x40: {  	[spmem:s2] =	stream.indirect.scatter.add.f32 [tilespmem:s15], [sflag:$0x3], $0x40, s14, s14, $0xb8;
	[tilespmem:$0x16E40] =	vst v63  }
0x41: {  	_ =	swait.ge [sflag:s13], $0x6400  }
0x42: {  	s23 =	sadd.s32 s23, s11;
	[sflag:s13] =	ssyncset.done $0x0  }
0x43: {  	s24 =	sadd.s32 $0x1388, s23;
	[sflag:s13] =	ssyncadd.s32 $0xFFFF9C00  }
0x44: {  	[tilespmem:s3], [sflag:$0x3] =	stream.linear.gather [hbm4b:s24+s3], $0x320, $0x38;
	[tilespmem:$0x16E40] =	vst v63  }
0x45: {  	_ =	swait.ge [sflag:s13], $0x320  }
0x46: {  	[sflag:s13] =	ssyncset.done $0x0  }
0x47: {  	[sflag:s13] =	ssyncadd.s32 $0xFFFFFCE0  }
0x48: {  	[tilespmem:s15], [sflag:$0x1] =	stream.indirect.gather [hbm4b:s4+s14], $0x40, s3, s14, $0xb8;
	[tilespmem:$0x16E40] =	vst v63  }
0x49: {  	_ =	swait.ge [sflag:s19], $0x6400  }
0x4a: {  	[sflag:s19] =	ssyncset.done $0x0  }
0x4b: {  	[sflag:s19] =	ssyncadd.s32 $0xFFFF9C00  }
0x4c: {  	[spmem:s2] =	stream.indirect.scatter.add.f32 [tilespmem:s17], [sflag:$0x3], $0x40, s20, s14, $0xb8;
	[tilespmem:$0x16E40] =	vst v63  }
0x4d: {  	_ =	swait.ge [sflag:s13], $0x6400  }
0x4e: {  	[sflag:s13] =	ssyncset.done $0x0  }
.Ltmp0:
0x4f: {  	s23 =	sadd.s32 $0x13EC, s23;
	[sflag:s13] =	ssyncadd.s32 $0xFFFF9C00;
	(pc) =	sbr.rel @p0 .LBB2_2-.Ltmp0, $4  }
0x50: {  	[tilespmem:s16], [sflag:$0x3] =	stream.linear.gather [hbm4b:s23+s3], $0x320, $0x38;
	[tilespmem:$0x16E40] =	vst v63  }
0x51: {  	_ =	swait.ge [sflag:s13], $0x320  }
0x52: {  	[sflag:s13] =	ssyncset.done $0x0  }
0x53: {  	[sflag:s13] =	ssyncadd.s32 $0xFFFFFCE0  }
0x54: {  	[tilespmem:s17], [sflag:$0x2] =	stream.indirect.gather [hbm4b:s4+s14], $0x40, s16, s14, $0xb8;
	[tilespmem:$0x16E40] =	vst v63  }
0x55: {  	_ =	swait.ge [sflag:s18], $0x6400  }
0x56: {  	[sflag:s18] =	ssyncset.done $0x0  }
0x57: {  	[sflag:s18] =	ssyncadd.s32 $0xFFFF9C00  }
0x58: {  	[spmem:s2] =	stream.indirect.scatter.add.f32 [tilespmem:s15], [sflag:$0x3], $0x40, s14, s14, $0xb8;
	[tilespmem:$0x16E40] =	vst v63  }
0x59: {  	_ =	swait.ge [sflag:s13], $0x6400  }
0x5a: {  	[sflag:s13] =	ssyncset.done $0x0  }
0x5b: {  	[sflag:s13] =	ssyncadd.s32 $0xFFFF9C00  }
0x5c: {  	_ =	swait.ge [sflag:s19], $0x6400  }
0x5d: {  	[sflag:s19] =	ssyncset.done $0x0  }
0x5e: {  	[sflag:s19] =	ssyncadd.s32 $0xFFFF9C00  }
0x5f: {  	[spmem:s2] =	stream.indirect.scatter.add.f32 [tilespmem:s17], [sflag:$0x3], $0x40, s20, s14, $0xb8;
	[tilespmem:$0x16E40] =	vst v63  }
0x60: {  	_ =	swait.ge [sflag:s13], $0x6400  }
0x61: {  	s21 =	sadd.s32 $0x1, s21;
	[sflag:s13] =	ssyncset.done $0x0  }
0x62: {  	p0 =	sne.s32 s21, s10;
	[sflag:s13] =	ssyncadd.s32 $0xFFFF9C00  }
.Ltmp1:
0x63: {  	[bflag:$0x0] =	sbarrier.arrive $0xFFFF;
	(pc) =	sbr.rel @p0 .LBB2_1-.Ltmp1, $4  }
0x64: {  	[hbm:s9], [sflag:s6] =	dma.local [spmem:s12], $0x1400  }
0x65: {  	_ =	swait.ge [sflag:s13], $0x1400  }
0x66: {  	[sflag:s13] =	ssyncset.done $0x0  }
0x67: {  	[sflag:s13] =	ssyncadd.s32 $0xFFFFEC00  }
0x68: {  	_ =	sfence.sel $0x180000  }
0x69: {  	[bflag:$0x0] =	sbarrier.arrive $0xFFFF  }
0x6a: {  	p0 =	sne.s32 s1, $0x0;
	_ =	strace $0x9000004A  }
0x6b: {  	s0 =	sadd.s32 @!p0 $0x100000, s0;
	[bflag:$0x2] =	sbarrier.arrive $0xFFFF  }
0x6c: {  	[sflag:s0] =	ssyncadd.tile.s32 @!p0 $0x1;
	_ =	shalt  }
.Lfunc_end2:
_tile_overlayer_lowered:
.L_overlay_start_2:
0x6d: {  	(tag) =	ssettag $0x2  }
0x6e: {  	s0 =	rddreg [dreg:$0x0];
	s2 =	stileid.u32  }
0x6f: {  	s1 =	rddreg [dreg:$0x1];
	p0 =	sne.s32 s2, $0x0  }
0x70: {  	s3 =	rddreg [dreg:$0x2];
	[bflag:$0x3] =	sbarrier.arrive $0xFFFF;
	s2 =	simm.s32 @!p0 $0x1C03  }
0x71: {  	[timem:s3], [sflag:s2] =	dma.local @!p0 [hbm:s0], s1  }
0x72: {  	s0 =	simm.s32 @!p0 $0x3  }
0x73: {  	_ =	swait.ge @!p0 [sflag:s0], s1  }
0x74: {  	s1 =	ssub.s32 @!p0 $0x0, s1;
	[sflag:s0] =	ssyncset.done @!p0 $0x0  }
0x75: {  	[sflag:s0] =	ssyncadd.s32 @!p0 s1  }
0x76: {  	[bflag:$0x3] =	sbarrier.arrive $0xFFFF  }
0x77: {  	_ =	shalt  }

</sc_bundles>
